<compile_context>
chip_gen: v7x
topology: tpu7x:2x2x1
jax: 0.10.2.dev20260603
libtpu: 0.0.44.dev20260713+nightly
codegen_flags: <defaults>
</compile_context>

<pallas_src>
import functools
import math

import numpy as np

import jax
import jax.numpy as jnp
from jax import lax
from jax.experimental import pallas as pl
from jax.experimental.pallas import tpu as pltpu
from jax.experimental.pallas import tpu_sc as plsc

jax.config.update("jax_enable_x64", True)

NC = 2
NS = 16
L = 16
CH = 512


def _sc_scatter_build(N1, CPT, KB):
  RN = N1 // NS
  CPT0 = (2 * CPT * 2 // 3 // KB) * KB
  CPT1 = 2 * CPT - CPT0
  G0 = CPT0 // KB
  G1 = CPT1 // KB

  mesh = plsc.VectorSubcoreMesh(
      core_axis_name="c", subcore_axis_name="s", num_cores=NC,
      num_subcores=NS)

  @functools.partial(
      pl.kernel,
      out_type=jax.ShapeDtypeStruct((NC, N1), jnp.float32),
      mesh=mesh,
      compiler_params=pltpu.CompilerParams(
          needs_layout_passes=False, use_tc_tiling_on_sc=False),
      scratch_types=[
          pltpu.VMEM_SHARED((N1,), jnp.float32),
          pltpu.VMEM_SHARED((N1,), jnp.float32),
          pltpu.VMEM((RN,), jnp.float32),
          pltpu.VMEM((RN,), jnp.float32),
          pltpu.VMEM((RN,), jnp.float32),
          pltpu.VMEM((KB, CH), jnp.int32),
          pltpu.VMEM((KB, CH), jnp.int32),
          pltpu.VMEM((KB, CH), jnp.float32),
          pltpu.SemaphoreType.DMA,
          pltpu.SemaphoreType.DMA,
      ],
  )
  def sc_kernel(nodes_hbm, edges_hbm, t_out,
                table_sh, acc_sh, bel_v, pay_v, tbl_v,
                srcb, dstb, msgb, gsem, ssem):
    c = lax.axis_index("c")
    s = lax.axis_index("s")
    wid = c * NS + s
    base_n = s * RN
    i0, i1, i2 = jnp.int32(0), jnp.int32(1), jnp.int32(2)

    pltpu.sync_copy(nodes_hbm.at[i0, pl.ds(base_n, RN)], bel_v)
    pltpu.sync_copy(nodes_hbm.at[i2, pl.ds(base_n, RN)], pay_v)

    zero16 = jnp.zeros((L,), jnp.float32)

    def build(_, off):
      b16 = bel_v[pl.ds(off, L)]
      p16 = pay_v[pl.ds(off, L)]
      m = jnp.maximum(jnp.sign(b16 - 0.5), 0.0)
      tbl_v[pl.ds(off, L)] = (2.0 * p16 - 10.0) * m
      return off + L

    lax.fori_loop(jnp.int32(0), jnp.int32(RN // L), build, jnp.int32(0))
    pltpu.sync_copy(tbl_v, table_sh.at[pl.ds(base_n, RN)])

    def zloop(_, off):
      tbl_v[pl.ds(off, L)] = zero16
      return off + L

    lax.fori_loop(jnp.int32(0), jnp.int32(RN // L), zloop, jnp.int32(0))
    pltpu.sync_copy(tbl_v, acc_sh.at[pl.ds(base_n, RN)])
    plsc.subcore_barrier()

    tile_row = jnp.where(c == 0, s * jnp.int32(CPT0),
                         jnp.int32(NS * CPT0) + s * jnp.int32(CPT1))
    n_groups = jnp.where(c == 0, jnp.int32(G0), jnp.int32(G1))

    def group(_, row0):
      row0a = pl.multiple_of(row0, 8)
      pltpu.sync_copy(edges_hbm.at[i0, pl.ds(row0a, KB)], srcb)
      pltpu.sync_copy(edges_hbm.at[i1, pl.ds(row0a, KB)], dstb)
      ji = [jnp.int32(j) for j in range(KB)]
      gds = [pltpu.async_copy(table_sh.at[srcb.at[ji[j]]], msgb.at[ji[j]],
                              gsem)
             for j in range(KB)]
      sds = []
      for j in range(KB):
        gds[j].wait()
        sds.append(pltpu.async_copy(
            msgb.at[ji[j]], acc_sh.at[dstb.at[ji[j]]], ssem, add=True))
      for d in sds:
        d.wait()
      return row0 + KB

    lax.fori_loop(jnp.int32(0), n_groups, group, tile_row)
    plsc.subcore_barrier()

    pltpu.sync_copy(acc_sh.at[pl.ds(base_n, RN)],
                    t_out.at[c, pl.ds(base_n, RN)])

  return sc_kernel


def _tc_apply(b_ref, q_ref, t0_ref, t1_ref, o_ref):
  t = t0_ref[0] + t1_ref[0]
  b = b_ref[0]
  q = q_ref[0]
  d = t * (jnp.log(1.0 - q) - jnp.log(q))
  den = b + (1.0 - b) * jnp.exp(d)
  o_ref[...] = b / jnp.maximum(den, 1e-35)


def kernel(belief, probability, payoff_sample, edge_index):
  N = belief.shape[0]
  E = edge_index.shape[1]

  N1 = ((N + 1023) // 1024) * 1024
  CPT = 8 * math.ceil(E / (NC * NS * CH * 8))
  E1 = CPT * NC * NS * CH
  KB = max(k for k in range(8, 33, 8) if CPT % k == 0)

  f32 = jnp.float32
  nodes = jnp.stack([
      jnp.concatenate([belief.astype(f32), jnp.zeros((N1 - N,), f32)]),
      jnp.concatenate(
          [probability.astype(f32), jnp.full((N1 - N,), 0.5, f32)]),
      jnp.concatenate(
          [payoff_sample.astype(f32), jnp.zeros((N1 - N,), f32)]),
  ])
  edges = jnp.concatenate(
      [edge_index.astype(jnp.int32),
       jnp.full((2, E1 - E), N, jnp.int32)], axis=1)
  edges = edges.reshape(2, E1 // CH, CH)

  sc = _sc_scatter_build(N1, CPT, KB)
  t_p = sc(nodes, edges)

  R = N1 // 128
  GB = max(g for g in range(1, 17)
           if R % g == 0 and (R // g) % 8 == 0)
  blk = (1, R // GB, 128)
  z = np.int32(0)

  def _row_spec(r):
    return pl.BlockSpec(blk, lambda i, r=np.int32(r): (r, i, z))

  nodes3 = nodes.reshape(3, R, 128)
  t3 = t_p.reshape(2, R, 128)
  out = pl.pallas_call(
      _tc_apply,
      grid=(GB,),
      in_specs=[_row_spec(0), _row_spec(1), _row_spec(0), _row_spec(1)],
      out_specs=pl.BlockSpec((R // GB, 128), lambda i: (i, np.int32(0))),
      out_shape=jax.ShapeDtypeStruct((R, 128), f32),
  )(nodes3, nodes3, t3, t3)

  return out.reshape(N1)[:N].astype(jnp.float64)

# --- scband reference (transcript-rebuilt; emitter-appended) ---
"""Pipeline reference for scband-bala-goyal-op-16612933501366 (READ-ONLY COPY).

The authoritative reference and input builder live on the scoring server;
editing this copy changes nothing except your own understanding.
"""

import jax, jax.numpy as jnp
import numpy as np

jax.config.update("jax_enable_x64", True)

N = 100000
E = 1600000
TRIALS = 10.0

def setup_inputs(seed: int = 0) -> dict:
    key = jax.random.key(seed)
    k1, k2, k3, k4 = jax.random.split(key, 4)
    belief = jax.random.uniform(k1, (N,), dtype=jnp.float32)
    # probability = 0.5 + epsilon style; keep in [0.4, 0.6] so large powers stay representable in f64
    probability = (0.4 + 0.2 * jax.random.uniform(k2, (N,), dtype=jnp.float32))
    # pre-drawn binomial payoff sample (deterministic stand-in for self._sampler.sample())
    payoff_sample = jax.random.randint(k3, (N,), 0, 11, dtype=jnp.int64)
    edge_index = jax.random.randint(k4, (2, E), 0, N, dtype=jnp.int64)
    return {"belief": belief, "probability": probability, "payoff_sample": payoff_sample, "edge_index": edge_index}

def reference(belief, probability, payoff_sample, edge_index):
    # experiment(): nodes with belief > 0.5 observe (payoffs, trials); others get zeros
    b = belief.astype(jnp.float64)
    q = probability.astype(jnp.float64)
    n = b.shape[0]
    mask = (b > 0.5).astype(jnp.float64)
    payoff = jnp.stack(
        [payoff_sample.astype(jnp.float64) * mask,
         jnp.full((n,), TRIALS, dtype=jnp.float64) * mask],
        axis=1,
    )  # [N, 2]
    src = edge_index[0]
    dst = edge_index[1]
    # filterfn: keep edges whose src payoff[:,1] > 0
    emask = (payoff[src, 1] > 0.0).astype(jnp.float64)
    # messagefn + reducefn: gather src payoff, scatter-add (sum) into dst mailbox
    msg = payoff[src] * emask[:, None]
    agg = jnp.zeros((n, 2), dtype=jnp.float64).at[dst].add(msg)
    # only nodes that actually received >=1 message get applyfn (DGL send_and_recv semantics)
    recv = jnp.zeros((n,), dtype=jnp.float64).at[dst].add(emask) > 0
    # applyfn: Bayesian update
    success = agg[:, 0]
    failure = agg[:, 1] - agg[:, 0]
    likely = jnp.power(q, success) * jnp.power(1.0 - q, failure)
    marginal = b * likely + (1.0 - b) * (jnp.power(1.0 - q, success) * jnp.power(q, failure))
    posterior = b * likely / marginal
    new_belief = jnp.where(recv, posterior, b)
    return new_belief

if __name__ == "__main__":
    import jax
    _d = setup_inputs()
    print(jax.jit(kernel)(*tuple(_d.values())))

</pallas_src>

<mosaic_0001>
#map = affine_map<(d0, d1) -> (0, 0)>
#map1 = affine_map<(d0, d1) -> (0, 0, 0)>
module attributes {stable_mosaic.version = 14 : i64} {
  func.func @sc_kernel(%arg0: i32, %arg1: i32, %arg2: memref<3x100352xf32, #tpu.memory_space<hbm>>, %arg3: memref<2x3328x512xi32, #tpu.memory_space<hbm>>, %arg4: memref<2x100352xf32, #tpu.memory_space<hbm>>, %arg5: memref<100352xf32, #tpu.memory_space<vmem_shared>>, %arg6: memref<100352xf32, #tpu.memory_space<vmem_shared>>, %arg7: memref<6272xf32, #tpu.memory_space<vmem>>, %arg8: memref<6272xf32, #tpu.memory_space<vmem>>, %arg9: memref<6272xf32, #tpu.memory_space<vmem>>, %arg10: memref<8x512xi32, #tpu.memory_space<vmem>>, %arg11: memref<8x512xi32, #tpu.memory_space<vmem>>, %arg12: memref<8x512xf32, #tpu.memory_space<vmem>>, %arg13: memref<!tpu.dma_semaphore, #tpu.memory_space<semaphore_mem>>, %arg14: memref<!tpu.dma_semaphore, #tpu.memory_space<semaphore_mem>>) attributes {dimension_semantics = [#tpu.dimension_semantics<core_parallel>, #tpu.dimension_semantics<subcore_parallel>], iteration_bounds = array<i64: 2, 16>, scalar_prefetch = 0 : i64, scratch_operands = 10 : i64, tpu.core_type = #tpu.core_type<sc_vector_subcore>, window_params = [{transform_indices = #map}, {transform_indices = #map1}, {transform_indices = #map}]} {
    %mul3A = arith.constant 16 : i32
    %mul3A_0 = arith.muli %arg0, %mul3A : i32
    %add3A = arith.addi %mul3A_0, %arg1 : i32
    %mul3A_1 = arith.constant 6272 : i32
    %mul3A_2 = arith.muli %arg1, %mul3A_1 : i32
    %run_scoped3A = arith.constant 0 : i32
    "tpu.region"() ({
      %run_scoped3A_55 = tpu.sem_alloc : memref<!tpu.dma_semaphore, #tpu.memory_space<semaphore_mem>>
      %dma_start3A = tpu.memref_slice %arg2[%run_scoped3A, %mul3A_2] : memref<3x100352xf32, #tpu.memory_space<hbm>> -> memref<1x6272xf32, #tpu.memory_space<hbm>>
      %dma_start3A_56 = tpu.memref_squeeze %dma_start3A : memref<1x6272xf32, #tpu.memory_space<hbm>> -> memref<6272xf32, #tpu.memory_space<hbm>>
      %dma_start3A_57 = tpu.memref_slice %arg2[%run_scoped3A, %mul3A_2] : memref<3x100352xf32, #tpu.memory_space<hbm>> -> memref<1x6272xf32, #tpu.memory_space<hbm>>
      %dma_start3A_58 = tpu.memref_squeeze %dma_start3A_57 : memref<1x6272xf32, #tpu.memory_space<hbm>> -> memref<6272xf32, #tpu.memory_space<hbm>>
      tpu.enqueue_dma source(%dma_start3A_58 : memref<6272xf32, #tpu.memory_space<hbm>>) target(%arg7 : memref<6272xf32, #tpu.memory_space<vmem>>) target_semaphore(%run_scoped3A_55 : memref<!tpu.dma_semaphore, #tpu.memory_space<semaphore_mem>>)
      %dma_wait3A = tpu.memref_slice %arg2[%run_scoped3A, %mul3A_2] : memref<3x100352xf32, #tpu.memory_space<hbm>> -> memref<1x6272xf32, #tpu.memory_space<hbm>>
      %dma_wait3A_59 = tpu.memref_squeeze %dma_wait3A : memref<1x6272xf32, #tpu.memory_space<hbm>> -> memref<6272xf32, #tpu.memory_space<hbm>>
      %dma_wait3A_60 = tpu.memref_slice %arg2[%run_scoped3A, %mul3A_2] : memref<3x100352xf32, #tpu.memory_space<hbm>> -> memref<1x6272xf32, #tpu.memory_space<hbm>>
      %dma_wait3A_61 = tpu.memref_squeeze %dma_wait3A_60 : memref<1x6272xf32, #tpu.memory_space<hbm>> -> memref<6272xf32, #tpu.memory_space<hbm>>
      tpu.wait_dma2 semaphore(%run_scoped3A_55 : memref<!tpu.dma_semaphore, #tpu.memory_space<semaphore_mem>>) src(%dma_wait3A_61 : memref<6272xf32, #tpu.memory_space<hbm>>) dst(%arg7 : memref<6272xf32, #tpu.memory_space<vmem>>)
      tpu.yield
    }) : () -> ()
    %run_scoped3A_3 = arith.constant 2 : i32
    "tpu.region"() ({
      %run_scoped3A_55 = tpu.sem_alloc : memref<!tpu.dma_semaphore, #tpu.memory_space<semaphore_mem>>
      %dma_start3A = tpu.memref_slice %arg2[%run_scoped3A_3, %mul3A_2] : memref<3x100352xf32, #tpu.memory_space<hbm>> -> memref<1x6272xf32, #tpu.memory_space<hbm>>
      %dma_start3A_56 = tpu.memref_squeeze %dma_start3A : memref<1x6272xf32, #tpu.memory_space<hbm>> -> memref<6272xf32, #tpu.memory_space<hbm>>
      %dma_start3A_57 = tpu.memref_slice %arg2[%run_scoped3A_3, %mul3A_2] : memref<3x100352xf32, #tpu.memory_space<hbm>> -> memref<1x6272xf32, #tpu.memory_space<hbm>>
      %dma_start3A_58 = tpu.memref_squeeze %dma_start3A_57 : memref<1x6272xf32, #tpu.memory_space<hbm>> -> memref<6272xf32, #tpu.memory_space<hbm>>
      tpu.enqueue_dma source(%dma_start3A_58 : memref<6272xf32, #tpu.memory_space<hbm>>) target(%arg8 : memref<6272xf32, #tpu.memory_space<vmem>>) target_semaphore(%run_scoped3A_55 : memref<!tpu.dma_semaphore, #tpu.memory_space<semaphore_mem>>)
      %dma_wait3A = tpu.memref_slice %arg2[%run_scoped3A_3, %mul3A_2] : memref<3x100352xf32, #tpu.memory_space<hbm>> -> memref<1x6272xf32, #tpu.memory_space<hbm>>
      %dma_wait3A_59 = tpu.memref_squeeze %dma_wait3A : memref<1x6272xf32, #tpu.memory_space<hbm>> -> memref<6272xf32, #tpu.memory_space<hbm>>
      %dma_wait3A_60 = tpu.memref_slice %arg2[%run_scoped3A_3, %mul3A_2] : memref<3x100352xf32, #tpu.memory_space<hbm>> -> memref<1x6272xf32, #tpu.memory_space<hbm>>
      %dma_wait3A_61 = tpu.memref_squeeze %dma_wait3A_60 : memref<1x6272xf32, #tpu.memory_space<hbm>> -> memref<6272xf32, #tpu.memory_space<hbm>>
      tpu.wait_dma2 semaphore(%run_scoped3A_55 : memref<!tpu.dma_semaphore, #tpu.memory_space<semaphore_mem>>) src(%dma_wait3A_61 : memref<6272xf32, #tpu.memory_space<hbm>>) dst(%arg8 : memref<6272xf32, #tpu.memory_space<vmem>>)
      tpu.yield
    }) : () -> ()
    %broadcast_in_dim3A = arith.constant 0.000000e+00 : f32
    %broadcast_in_dim3A_4 = vector.broadcast %broadcast_in_dim3A : f32 to vector<16xf32>
    %while3A = arith.constant 0 : i32
    %while3A_5 = arith.constant 392 : i32
    %while3A_6 = arith.constant 0 : i32
    %while3A_7 = arith.subi %while3A_5, %while3A : i32
    %while3A_8 = arith.addi %while3A, %while3A_7 : i32
    %while3A_9 = arith.constant 1 : i32
    %while3A_10 = arith.divsi %while3A_7, %while3A_9 : i32
    %while3A_11 = arith.muli %while3A_10, %while3A_9 : i32
    %while3A_12 = arith.addi %while3A, %while3A_11 : i32
    %while3A_13 = arith.constant 1 : i32
    %while3A_14 = scf.for %while3A_55 = %while3A to %while3A_12 step %while3A_13 iter_args(%while3A_56 = %while3A_6) -> (i32)  : i32 {
      %get3A = arith.index_cast %while3A_56 : i32 to index
      %get3A_57 = tpu.vector_load %arg7[%get3A] {strides = array<i32>} : memref<6272xf32, #tpu.memory_space<vmem>>, vector<16xf32>,
      %get3A_58 = arith.index_cast %while3A_56 : i32 to index
      %get3A_59 = tpu.vector_load %arg8[%get3A_58] {strides = array<i32>} : memref<6272xf32, #tpu.memory_space<vmem>>, vector<16xf32>,
      %sub3A = arith.constant 5.000000e-01 : f32
      %sub3A_60 = vector.broadcast %sub3A : f32 to vector<16xf32>
      %sub3A_61 = arith.subf %get3A_57, %sub3A_60 : vector<16xf32>
      %sign3A = tpu.bitcast %sub3A_61 : vector<16xf32> -> vector<16xi32>
      %sign3A_62 = arith.constant -2147483648 : i32
      %sign3A_63 = vector.broadcast %sign3A_62 : i32 to vector<16xi32>
      %sign3A_64 = arith.andi %sign3A, %sign3A_63 : vector<16xi32>
      %sign3A_65 = arith.constant 1065353216 : i32
      %sign3A_66 = vector.broadcast %sign3A_65 : i32 to vector<16xi32>
      %sign3A_67 = arith.ori %sign3A_66, %sign3A_64 : vector<16xi32>
      %sign3A_68 = tpu.bitcast %sign3A_67 : vector<16xi32> -> vector<16xf32>
      %sign3A_69 = math.absf %sub3A_61 : vector<16xf32>
      %sign3A_70 = arith.constant 0.000000e+00 : f32
      %sign3A_71 = vector.broadcast %sign3A_70 : f32 to vector<16xf32>
      %sign3A_72 = arith.cmpf ogt, %sign3A_69, %sign3A_71 : vector<16xf32>
      %sign3A_73 = arith.select %sign3A_72, %sign3A_68, %sub3A_61 : vector<16xi1>, vector<16xf32>
      %max3A = arith.constant 0.000000e+00 : f32
      %max3A_74 = vector.broadcast %max3A : f32 to vector<16xf32>
      %max3A_75 = arith.maximumf %sign3A_73, %max3A_74 : vector<16xf32>
      %mul3A_76 = arith.constant 2.000000e+00 : f32
      %mul3A_77 = vector.broadcast %mul3A_76 : f32 to vector<16xf32>
      %mul3A_78 = arith.mulf %mul3A_77, %get3A_59 : vector<16xf32>
      %sub3A_79 = arith.constant 1.000000e+01 : f32
      %sub3A_80 = vector.broadcast %sub3A_79 : f32 to vector<16xf32>
      %sub3A_81 = arith.subf %mul3A_78, %sub3A_80 : vector<16xf32>
      %mul3A_82 = arith.mulf %sub3A_81, %max3A_75 : vector<16xf32>
      %swap3A = arith.index_cast %while3A_56 : i32 to index
      %swap3A_83 = tpu.vector_load %arg9[%swap3A] {strides = array<i32>} : memref<6272xf32, #tpu.memory_space<vmem>>, vector<16xf32>,
      tpu.vector_store %arg9[%swap3A], %mul3A_82 {strides = array<i32>} : memref<6272xf32, #tpu.memory_space<vmem>>, vector<16xf32>,
      %add3A_84 = arith.constant 16 : i32
      %add3A_85 = arith.addi %while3A_56, %add3A_84 : i32
      scf.yield %add3A_85 : i32
    }
    %while3A_15 = arith.constant 1 : i32
    %while3A_16 = scf.for %while3A_55 = %while3A_12 to %while3A_8 step %while3A_15 iter_args(%while3A_56 = %while3A_14) -> (i32)  : i32 {
      %get3A = arith.index_cast %while3A_56 : i32 to index
      %get3A_57 = tpu.vector_load %arg7[%get3A] {strides = array<i32>} : memref<6272xf32, #tpu.memory_space<vmem>>, vector<16xf32>,
      %get3A_58 = arith.index_cast %while3A_56 : i32 to index
      %get3A_59 = tpu.vector_load %arg8[%get3A_58] {strides = array<i32>} : memref<6272xf32, #tpu.memory_space<vmem>>, vector<16xf32>,
      %sub3A = arith.constant 5.000000e-01 : f32
      %sub3A_60 = vector.broadcast %sub3A : f32 to vector<16xf32>
      %sub3A_61 = arith.subf %get3A_57, %sub3A_60 : vector<16xf32>
      %sign3A = tpu.bitcast %sub3A_61 : vector<16xf32> -> vector<16xi32>
      %sign3A_62 = arith.constant -2147483648 : i32
      %sign3A_63 = vector.broadcast %sign3A_62 : i32 to vector<16xi32>
      %sign3A_64 = arith.andi %sign3A, %sign3A_63 : vector<16xi32>
      %sign3A_65 = arith.constant 1065353216 : i32
      %sign3A_66 = vector.broadcast %sign3A_65 : i32 to vector<16xi32>
      %sign3A_67 = arith.ori %sign3A_66, %sign3A_64 : vector<16xi32>
      %sign3A_68 = tpu.bitcast %sign3A_67 : vector<16xi32> -> vector<16xf32>
      %sign3A_69 = math.absf %sub3A_61 : vector<16xf32>
      %sign3A_70 = arith.constant 0.000000e+00 : f32
      %sign3A_71 = vector.broadcast %sign3A_70 : f32 to vector<16xf32>
      %sign3A_72 = arith.cmpf ogt, %sign3A_69, %sign3A_71 : vector<16xf32>
      %sign3A_73 = arith.select %sign3A_72, %sign3A_68, %sub3A_61 : vector<16xi1>, vector<16xf32>
      %max3A = arith.constant 0.000000e+00 : f32
      %max3A_74 = vector.broadcast %max3A : f32 to vector<16xf32>
      %max3A_75 = arith.maximumf %sign3A_73, %max3A_74 : vector<16xf32>
      %mul3A_76 = arith.constant 2.000000e+00 : f32
      %mul3A_77 = vector.broadcast %mul3A_76 : f32 to vector<16xf32>
      %mul3A_78 = arith.mulf %mul3A_77, %get3A_59 : vector<16xf32>
      %sub3A_79 = arith.constant 1.000000e+01 : f32
      %sub3A_80 = vector.broadcast %sub3A_79 : f32 to vector<16xf32>
      %sub3A_81 = arith.subf %mul3A_78, %sub3A_80 : vector<16xf32>
      %mul3A_82 = arith.mulf %sub3A_81, %max3A_75 : vector<16xf32>
      %swap3A = arith.index_cast %while3A_56 : i32 to index
      %swap3A_83 = tpu.vector_load %arg9[%swap3A] {strides = array<i32>} : memref<6272xf32, #tpu.memory_space<vmem>>, vector<16xf32>,
      tpu.vector_store %arg9[%swap3A], %mul3A_82 {strides = array<i32>} : memref<6272xf32, #tpu.memory_space<vmem>>, vector<16xf32>,
      %add3A_84 = arith.constant 16 : i32
      %add3A_85 = arith.addi %while3A_56, %add3A_84 : i32
      scf.yield %add3A_85 : i32
    }
    "tpu.region"() ({
      %run_scoped3A_55 = tpu.sem_alloc : memref<!tpu.dma_semaphore, #tpu.memory_space<semaphore_mem>>
      %dma_start3A = tpu.memref_slice %arg5[%mul3A_2] : memref<100352xf32, #tpu.memory_space<vmem_shared>> -> memref<6272xf32, #tpu.memory_space<vmem_shared>>
      %dma_start3A_56 = tpu.memref_slice %arg5[%mul3A_2] : memref<100352xf32, #tpu.memory_space<vmem_shared>> -> memref<6272xf32, #tpu.memory_space<vmem_shared>>
      tpu.enqueue_dma source(%arg9 : memref<6272xf32, #tpu.memory_space<vmem>>) target(%dma_start3A_56 : memref<6272xf32, #tpu.memory_space<vmem_shared>>) target_semaphore(%run_scoped3A_55 : memref<!tpu.dma_semaphore, #tpu.memory_space<semaphore_mem>>)
      %dma_wait3A = tpu.memref_slice %arg5[%mul3A_2] : memref<100352xf32, #tpu.memory_space<vmem_shared>> -> memref<6272xf32, #tpu.memory_space<vmem_shared>>
      %dma_wait3A_57 = tpu.memref_slice %arg5[%mul3A_2] : memref<100352xf32, #tpu.memory_space<vmem_shared>> -> memref<6272xf32, #tpu.memory_space<vmem_shared>>
      tpu.wait_dma2 semaphore(%run_scoped3A_55 : memref<!tpu.dma_semaphore, #tpu.memory_space<semaphore_mem>>) src(%arg9 : memref<6272xf32, #tpu.memory_space<vmem>>) dst(%dma_wait3A_57 : memref<6272xf32, #tpu.memory_space<vmem_shared>>)
      tpu.yield
    }) : () -> ()
    %while3A_17 = arith.constant 0 : i32
    %while3A_18 = arith.constant 392 : i32
    %while3A_19 = arith.constant 0 : i32
    %while3A_20 = arith.subi %while3A_18, %while3A_17 : i32
    %while3A_21 = arith.addi %while3A_17, %while3A_20 : i32
    %while3A_22 = arith.constant 1 : i32
    %while3A_23 = arith.divsi %while3A_20, %while3A_22 : i32
    %while3A_24 = arith.muli %while3A_23, %while3A_22 : i32
    %while3A_25 = arith.addi %while3A_17, %while3A_24 : i32
    %while3A_26 = arith.constant 1 : i32
    %while3A_27 = scf.for %while3A_55 = %while3A_17 to %while3A_25 step %while3A_26 iter_args(%while3A_56 = %while3A_19) -> (i32)  : i32 {
      %swap3A = arith.index_cast %while3A_56 : i32 to index
      %swap3A_57 = tpu.vector_load %arg9[%swap3A] {strides = array<i32>} : memref<6272xf32, #tpu.memory_space<vmem>>, vector<16xf32>,
      tpu.vector_store %arg9[%swap3A], %broadcast_in_dim3A_4 {strides = array<i32>} : memref<6272xf32, #tpu.memory_space<vmem>>, vector<16xf32>,
      %add3A_58 = arith.constant 16 : i32
      %add3A_59 = arith.addi %while3A_56, %add3A_58 : i32
      scf.yield %add3A_59 : i32
    }
    %while3A_28 = arith.constant 1 : i32
    %while3A_29 = scf.for %while3A_55 = %while3A_25 to %while3A_21 step %while3A_28 iter_args(%while3A_56 = %while3A_27) -> (i32)  : i32 {
      %swap3A = arith.index_cast %while3A_56 : i32 to index
      %swap3A_57 = tpu.vector_load %arg9[%swap3A] {strides = array<i32>} : memref<6272xf32, #tpu.memory_space<vmem>>, vector<16xf32>,
      tpu.vector_store %arg9[%swap3A], %broadcast_in_dim3A_4 {strides = array<i32>} : memref<6272xf32, #tpu.memory_space<vmem>>, vector<16xf32>,
      %add3A_58 = arith.constant 16 : i32
      %add3A_59 = arith.addi %while3A_56, %add3A_58 : i32
      scf.yield %add3A_59 : i32
    }
    "tpu.region"() ({
      %run_scoped3A_55 = tpu.sem_alloc : memref<!tpu.dma_semaphore, #tpu.memory_space<semaphore_mem>>
      %dma_start3A = tpu.memref_slice %arg6[%mul3A_2] : memref<100352xf32, #tpu.memory_space<vmem_shared>> -> memref<6272xf32, #tpu.memory_space<vmem_shared>>
      %dma_start3A_56 = tpu.memref_slice %arg6[%mul3A_2] : memref<100352xf32, #tpu.memory_space<vmem_shared>> -> memref<6272xf32, #tpu.memory_space<vmem_shared>>
      tpu.enqueue_dma source(%arg9 : memref<6272xf32, #tpu.memory_space<vmem>>) target(%dma_start3A_56 : memref<6272xf32, #tpu.memory_space<vmem_shared>>) target_semaphore(%run_scoped3A_55 : memref<!tpu.dma_semaphore, #tpu.memory_space<semaphore_mem>>)
      %dma_wait3A = tpu.memref_slice %arg6[%mul3A_2] : memref<100352xf32, #tpu.memory_space<vmem_shared>> -> memref<6272xf32, #tpu.memory_space<vmem_shared>>
      %dma_wait3A_57 = tpu.memref_slice %arg6[%mul3A_2] : memref<100352xf32, #tpu.memory_space<vmem_shared>> -> memref<6272xf32, #tpu.memory_space<vmem_shared>>
      tpu.wait_dma2 semaphore(%run_scoped3A_55 : memref<!tpu.dma_semaphore, #tpu.memory_space<semaphore_mem>>) src(%arg9 : memref<6272xf32, #tpu.memory_space<vmem>>) dst(%dma_wait3A_57 : memref<6272xf32, #tpu.memory_space<vmem_shared>>)
      tpu.yield
    }) : () -> ()
    %barrier3A = arith.constant 0 : index
    tpu.barrier barrier_id(%barrier3A)
    %eq3A = arith.constant 0 : i32
    %eq3A_30 = arith.cmpi eq, %arg0, %eq3A : i32
    %mul3A_31 = arith.constant 136 : i32
    %mul3A_32 = arith.muli %arg1, %mul3A_31 : i32
    %mul3A_33 = arith.constant 72 : i32
    %mul3A_34 = arith.muli %arg1, %mul3A_33 : i32
    %add3A_35 = arith.constant 2176 : i32
    %add3A_36 = arith.addi %add3A_35, %mul3A_34 : i32
    %select_n3A = arith.select %eq3A_30, %mul3A_32, %add3A_36 : i32
    %eq3A_37 = arith.constant 0 : i32
    %eq3A_38 = arith.cmpi eq, %arg0, %eq3A_37 : i32
    %jit3A = arith.constant 17 : i32
    %jit3A_39 = arith.constant 9 : i32
    %select_n3A_40 = arith.select %eq3A_38, %jit3A, %jit3A_39 : i32
    %while3A_41 = arith.constant 0 : i32
    %while3A_42 = arith.constant 1 : i32
    %while3A_43 = arith.constant 0 : i32
    %while3A_44 = arith.subi %select_n3A_40, %while3A_43 : i32
    %while3A_45 = arith.addi %while3A_43, %while3A_44 : i32
    %while3A_46 = arith.constant 1 : i32
    %while3A_47 = arith.divsi %while3A_44, %while3A_46 : i32
    %while3A_48 = arith.muli %while3A_47, %while3A_46 : i32
    %while3A_49 = arith.addi %while3A_43, %while3A_48 : i32
    %while3A_50 = arith.constant 1 : i32
    %while3A_51 = scf.for %while3A_55 = %while3A_43 to %while3A_49 step %while3A_50 iter_args(%while3A_56 = %select_n3A) -> (i32)  : i32 {
      %multiple_of3A = tpu.assume_multiple %while3A_56, 8 : i32
      "tpu.region"() ({
        %run_scoped3A_377 = tpu.sem_alloc : memref<!tpu.dma_semaphore, #tpu.memory_space<semaphore_mem>>
        %dma_start3A_378 = arith.constant 0 : i32
        %dma_start3A_379 = tpu.memref_slice %arg3[%while3A_41, %multiple_of3A, %dma_start3A_378] : memref<2x3328x512xi32, #tpu.memory_space<hbm>> -> memref<1x8x512xi32, #tpu.memory_space<hbm>>
        %dma_start3A_380 = tpu.memref_squeeze %dma_start3A_379 : memref<1x8x512xi32, #tpu.memory_space<hbm>> -> memref<8x512xi32, #tpu.memory_space<hbm>>
        %dma_start3A_381 = arith.constant 0 : i32
        %dma_start3A_382 = tpu.memref_slice %arg3[%while3A_41, %multiple_of3A, %dma_start3A_381] : memref<2x3328x512xi32, #tpu.memory_space<hbm>> -> memref<1x8x512xi32, #tpu.memory_space<hbm>>
        %dma_start3A_383 = tpu.memref_squeeze %dma_start3A_382 : memref<1x8x512xi32, #tpu.memory_space<hbm>> -> memref<8x512xi32, #tpu.memory_space<hbm>>
        tpu.enqueue_dma source(%dma_start3A_383 : memref<8x512xi32, #tpu.memory_space<hbm>>) target(%arg10 : memref<8x512xi32, #tpu.memory_space<vmem>>) target_semaphore(%run_scoped3A_377 : memref<!tpu.dma_semaphore, #tpu.memory_space<semaphore_mem>>)
        %dma_wait3A_384 = arith.constant 0 : i32
        %dma_wait3A_385 = tpu.memref_slice %arg3[%while3A_41, %multiple_of3A, %dma_wait3A_384] : memref<2x3328x512xi32, #tpu.memory_space<hbm>> -> memref<1x8x512xi32, #tpu.memory_space<hbm>>
        %dma_wait3A_386 = tpu.memref_squeeze %dma_wait3A_385 : memref<1x8x512xi32, #tpu.memory_space<hbm>> -> memref<8x512xi32, #tpu.memory_space<hbm>>
        %dma_wait3A_387 = arith.constant 0 : i32
        %dma_wait3A_388 = tpu.memref_slice %arg3[%while3A_41, %multiple_of3A, %dma_wait3A_387] : memref<2x3328x512xi32, #tpu.memory_space<hbm>> -> memref<1x8x512xi32, #tpu.memory_space<hbm>>
        %dma_wait3A_389 = tpu.memref_squeeze %dma_wait3A_388 : memref<1x8x512xi32, #tpu.memory_space<hbm>> -> memref<8x512xi32, #tpu.memory_space<hbm>>
        tpu.wait_dma2 semaphore(%run_scoped3A_377 : memref<!tpu.dma_semaphore, #tpu.memory_space<semaphore_mem>>) src(%dma_wait3A_389 : memref<8x512xi32, #tpu.memory_space<hbm>>) dst(%arg10 : memref<8x512xi32, #tpu.memory_space<vmem>>)
        tpu.yield
      }) : () -> ()
      "tpu.region"() ({
        %run_scoped3A_377 = tpu.sem_alloc : memref<!tpu.dma_semaphore, #tpu.memory_space<semaphore_mem>>
        %dma_start3A_378 = arith.constant 0 : i32
        %dma_start3A_379 = tpu.memref_slice %arg3[%while3A_42, %multiple_of3A, %dma_start3A_378] : memref<2x3328x512xi32, #tpu.memory_space<hbm>> -> memref<1x8x512xi32, #tpu.memory_space<hbm>>
        %dma_start3A_380 = tpu.memref_squeeze %dma_start3A_379 : memref<1x8x512xi32, #tpu.memory_space<hbm>> -> memref<8x512xi32, #tpu.memory_space<hbm>>
        %dma_start3A_381 = arith.constant 0 : i32
        %dma_start3A_382 = tpu.memref_slice %arg3[%while3A_42, %multiple_of3A, %dma_start3A_381] : memref<2x3328x512xi32, #tpu.memory_space<hbm>> -> memref<1x8x512xi32, #tpu.memory_space<hbm>>
        %dma_start3A_383 = tpu.memref_squeeze %dma_start3A_382 : memref<1x8x512xi32, #tpu.memory_space<hbm>> -> memref<8x512xi32, #tpu.memory_space<hbm>>
        tpu.enqueue_dma source(%dma_start3A_383 : memref<8x512xi32, #tpu.memory_space<hbm>>) target(%arg11 : memref<8x512xi32, #tpu.memory_space<vmem>>) target_semaphore(%run_scoped3A_377 : memref<!tpu.dma_semaphore, #tpu.memory_space<semaphore_mem>>)
        %dma_wait3A_384 = arith.constant 0 : i32
        %dma_wait3A_385 = tpu.memref_slice %arg3[%while3A_42, %multiple_of3A, %dma_wait3A_384] : memref<2x3328x512xi32, #tpu.memory_space<hbm>> -> memref<1x8x512xi32, #tpu.memory_space<hbm>>
        %dma_wait3A_386 = tpu.memref_squeeze %dma_wait3A_385 : memref<1x8x512xi32, #tpu.memory_space<hbm>> -> memref<8x512xi32, #tpu.memory_space<hbm>>
        %dma_wait3A_387 = arith.constant 0 : i32
        %dma_wait3A_388 = tpu.memref_slice %arg3[%while3A_42, %multiple_of3A, %dma_wait3A_387] : memref<2x3328x512xi32, #tpu.memory_space<hbm>> -> memref<1x8x512xi32, #tpu.memory_space<hbm>>
        %dma_wait3A_389 = tpu.memref_squeeze %dma_wait3A_388 : memref<1x8x512xi32, #tpu.memory_space<hbm>> -> memref<8x512xi32, #tpu.memory_space<hbm>>
        tpu.wait_dma2 semaphore(%run_scoped3A_377 : memref<!tpu.dma_semaphore, #tpu.memory_space<semaphore_mem>>) src(%dma_wait3A_389 : memref<8x512xi32, #tpu.memory_space<hbm>>) dst(%arg11 : memref<8x512xi32, #tpu.memory_space<vmem>>)
        tpu.yield
      }) : () -> ()
      %dma_start3A = arith.constant 0 : i32
      %dma_start3A_57 = arith.constant 0 : i32
      %dma_start3A_58 = arith.constant 0 : i32
      %dma_start3A_59 = tpu.memref_slice %arg12[%dma_start3A_57, %dma_start3A_58] : memref<8x512xf32, #tpu.memory_space<vmem>> -> memref<1x512xf32, #tpu.memory_space<vmem>>
      %dma_start3A_60 = tpu.memref_squeeze %dma_start3A_59 : memref<1x512xf32, #tpu.memory_space<vmem>> -> memref<512xf32, #tpu.memory_space<vmem>>
      %dma_start3A_61 = arith.constant 0 : i32
      %dma_start3A_62 = tpu.memref_slice %arg10[%dma_start3A, %dma_start3A_61] : memref<8x512xi32, #tpu.memory_space<vmem>> -> memref<1x512xi32, #tpu.memory_space<vmem>>
      %dma_start3A_63 = tpu.memref_squeeze %dma_start3A_62 : memref<1x512xi32, #tpu.memory_space<vmem>> -> memref<512xi32, #tpu.memory_space<vmem>>
      %dma_start3A_64 = arith.constant 0 : i32
      %dma_start3A_65 = tpu.memref_slice %arg5[%dma_start3A_64] : memref<100352xf32, #tpu.memory_space<vmem_shared>> -> memref<100352xf32, #tpu.memory_space<vmem_shared>>
      tpu.enqueue_indirect_dma source(%dma_start3A_65 : memref<100352xf32, #tpu.memory_space<vmem_shared>>) target(%dma_start3A_60 : memref<512xf32, #tpu.memory_space<vmem>>) offsets(%dma_start3A_63 : memref<512xi32, #tpu.memory_space<vmem>>) semaphore(%arg13 : memref<!tpu.dma_semaphore, #tpu.memory_space<semaphore_mem>>)
      %dma_start3A_66 = arith.constant 1 : i32
      %dma_start3A_67 = arith.constant 1 : i32
      %dma_start3A_68 = arith.constant 0 : i32
      %dma_start3A_69 = tpu.memref_slice %arg12[%dma_start3A_67, %dma_start3A_68] : memref<8x512xf32, #tpu.memory_space<vmem>> -> memref<1x512xf32, #tpu.memory_space<vmem>>
      %dma_start3A_70 = tpu.memref_squeeze %dma_start3A_69 : memref<1x512xf32, #tpu.memory_space<vmem>> -> memref<512xf32, #tpu.memory_space<vmem>>
      %dma_start3A_71 = arith.constant 0 : i32
      %dma_start3A_72 = tpu.memref_slice %arg10[%dma_start3A_66, %dma_start3A_71] : memref<8x512xi32, #tpu.memory_space<vmem>> -> memref<1x512xi32, #tpu.memory_space<vmem>>
      %dma_start3A_73 = tpu.memref_squeeze %dma_start3A_72 : memref<1x512xi32, #tpu.memory_space<vmem>> -> memref<512xi32, #tpu.memory_space<vmem>>
      %dma_start3A_74 = arith.constant 0 : i32
      %dma_start3A_75 = tpu.memref_slice %arg5[%dma_start3A_74] : memref<100352xf32, #tpu.memory_space<vmem_shared>> -> memref<100352xf32, #tpu.memory_space<vmem_shared>>
      tpu.enqueue_indirect_dma source(%dma_start3A_75 : memref<100352xf32, #tpu.memory_space<vmem_shared>>) target(%dma_start3A_70 : memref<512xf32, #tpu.memory_space<vmem>>) offsets(%dma_start3A_73 : memref<512xi32, #tpu.memory_space<vmem>>) semaphore(%arg13 : memref<!tpu.dma_semaphore, #tpu.memory_space<semaphore_mem>>)
      %dma_start3A_76 = arith.constant 2 : i32
      %dma_start3A_77 = arith.constant 2 : i32
      %dma_start3A_78 = arith.constant 0 : i32
      %dma_start3A_79 = tpu.memref_slice %arg12[%dma_start3A_77, %dma_start3A_78] : memref<8x512xf32, #tpu.memory_space<vmem>> -> memref<1x512xf32, #tpu.memory_space<vmem>>
      %dma_start3A_80 = tpu.memref_squeeze %dma_start3A_79 : memref<1x512xf32, #tpu.memory_space<vmem>> -> memref<512xf32, #tpu.memory_space<vmem>>
      %dma_start3A_81 = arith.constant 0 : i32
      %dma_start3A_82 = tpu.memref_slice %arg10[%dma_start3A_76, %dma_start3A_81] : memref<8x512xi32, #tpu.memory_space<vmem>> -> memref<1x512xi32, #tpu.memory_space<vmem>>
      %dma_start3A_83 = tpu.memref_squeeze %dma_start3A_82 : memref<1x512xi32, #tpu.memory_space<vmem>> -> memref<512xi32, #tpu.memory_space<vmem>>
      %dma_start3A_84 = arith.constant 0 : i32
      %dma_start3A_85 = tpu.memref_slice %arg5[%dma_start3A_84] : memref<100352xf32, #tpu.memory_space<vmem_shared>> -> memref<100352xf32, #tpu.memory_space<vmem_shared>>
      tpu.enqueue_indirect_dma source(%dma_start3A_85 : memref<100352xf32, #tpu.memory_space<vmem_shared>>) target(%dma_start3A_80 : memref<512xf32, #tpu.memory_space<vmem>>) offsets(%dma_start3A_83 : memref<512xi32, #tpu.memory_space<vmem>>) semaphore(%arg13 : memref<!tpu.dma_semaphore, #tpu.memory_space<semaphore_mem>>)
      %dma_start3A_86 = arith.constant 3 : i32
      %dma_start3A_87 = arith.constant 3 : i32
      %dma_start3A_88 = arith.constant 0 : i32
      %dma_start3A_89 = tpu.memref_slice %arg12[%dma_start3A_87, %dma_start3A_88] : memref<8x512xf32, #tpu.memory_space<vmem>> -> memref<1x512xf32, #tpu.memory_space<vmem>>
      %dma_start3A_90 = tpu.memref_squeeze %dma_start3A_89 : memref<1x512xf32, #tpu.memory_space<vmem>> -> memref<512xf32, #tpu.memory_space<vmem>>
      %dma_start3A_91 = arith.constant 0 : i32
      %dma_start3A_92 = tpu.memref_slice %arg10[%dma_start3A_86, %dma_start3A_91] : memref<8x512xi32, #tpu.memory_space<vmem>> -> memref<1x512xi32, #tpu.memory_space<vmem>>
      %dma_start3A_93 = tpu.memref_squeeze %dma_start3A_92 : memref<1x512xi32, #tpu.memory_space<vmem>> -> memref<512xi32, #tpu.memory_space<vmem>>
      %dma_start3A_94 = arith.constant 0 : i32
      %dma_start3A_95 = tpu.memref_slice %arg5[%dma_start3A_94] : memref<100352xf32, #tpu.memory_space<vmem_shared>> -> memref<100352xf32, #tpu.memory_space<vmem_shared>>
      tpu.enqueue_indirect_dma source(%dma_start3A_95 : memref<100352xf32, #tpu.memory_space<vmem_shared>>) target(%dma_start3A_90 : memref<512xf32, #tpu.memory_space<vmem>>) offsets(%dma_start3A_93 : memref<512xi32, #tpu.memory_space<vmem>>) semaphore(%arg13 : memref<!tpu.dma_semaphore, #tpu.memory_space<semaphore_mem>>)
      %dma_start3A_96 = arith.constant 4 : i32
      %dma_start3A_97 = arith.constant 4 : i32
      %dma_start3A_98 = arith.constant 0 : i32
      %dma_start3A_99 = tpu.memref_slice %arg12[%dma_start3A_97, %dma_start3A_98] : memref<8x512xf32, #tpu.memory_space<vmem>> -> memref<1x512xf32, #tpu.memory_space<vmem>>
      %dma_start3A_100 = tpu.memref_squeeze %dma_start3A_99 : memref<1x512xf32, #tpu.memory_space<vmem>> -> memref<512xf32, #tpu.memory_space<vmem>>
      %dma_start3A_101 = arith.constant 0 : i32
      %dma_start3A_102 = tpu.memref_slice %arg10[%dma_start3A_96, %dma_start3A_101] : memref<8x512xi32, #tpu.memory_space<vmem>> -> memref<1x512xi32, #tpu.memory_space<vmem>>
      %dma_start3A_103 = tpu.memref_squeeze %dma_start3A_102 : memref<1x512xi32, #tpu.memory_space<vmem>> -> memref<512xi32, #tpu.memory_space<vmem>>
      %dma_start3A_104 = arith.constant 0 : i32
      %dma_start3A_105 = tpu.memref_slice %arg5[%dma_start3A_104] : memref<100352xf32, #tpu.memory_space<vmem_shared>> -> memref<100352xf32, #tpu.memory_space<vmem_shared>>
      tpu.enqueue_indirect_dma source(%dma_start3A_105 : memref<100352xf32, #tpu.memory_space<vmem_shared>>) target(%dma_start3A_100 : memref<512xf32, #tpu.memory_space<vmem>>) offsets(%dma_start3A_103 : memref<512xi32, #tpu.memory_space<vmem>>) semaphore(%arg13 : memref<!tpu.dma_semaphore, #tpu.memory_space<semaphore_mem>>)
      %dma_start3A_106 = arith.constant 5 : i32
      %dma_start3A_107 = arith.constant 5 : i32
      %dma_start3A_108 = arith.constant 0 : i32
      %dma_start3A_109 = tpu.memref_slice %arg12[%dma_start3A_107, %dma_start3A_108] : memref<8x512xf32, #tpu.memory_space<vmem>> -> memref<1x512xf32, #tpu.memory_space<vmem>>
      %dma_start3A_110 = tpu.memref_squeeze %dma_start3A_109 : memref<1x512xf32, #tpu.memory_space<vmem>> -> memref<512xf32, #tpu.memory_space<vmem>>
      %dma_start3A_111 = arith.constant 0 : i32
      %dma_start3A_112 = tpu.memref_slice %arg10[%dma_start3A_106, %dma_start3A_111] : memref<8x512xi32, #tpu.memory_space<vmem>> -> memref<1x512xi32, #tpu.memory_space<vmem>>
      %dma_start3A_113 = tpu.memref_squeeze %dma_start3A_112 : memref<1x512xi32, #tpu.memory_space<vmem>> -> memref<512xi32, #tpu.memory_space<vmem>>
      %dma_start3A_114 = arith.constant 0 : i32
      %dma_start3A_115 = tpu.memref_slice %arg5[%dma_start3A_114] : memref<100352xf32, #tpu.memory_space<vmem_shared>> -> memref<100352xf32, #tpu.memory_space<vmem_shared>>
      tpu.enqueue_indirect_dma source(%dma_start3A_115 : memref<100352xf32, #tpu.memory_space<vmem_shared>>) target(%dma_start3A_110 : memref<512xf32, #tpu.memory_space<vmem>>) offsets(%dma_start3A_113 : memref<512xi32, #tpu.memory_space<vmem>>) semaphore(%arg13 : memref<!tpu.dma_semaphore, #tpu.memory_space<semaphore_mem>>)
      %dma_start3A_116 = arith.constant 6 : i32
      %dma_start3A_117 = arith.constant 6 : i32
      %dma_start3A_118 = arith.constant 0 : i32
      %dma_start3A_119 = tpu.memref_slice %arg12[%dma_start3A_117, %dma_start3A_118] : memref<8x512xf32, #tpu.memory_space<vmem>> -> memref<1x512xf32, #tpu.memory_space<vmem>>
      %dma_start3A_120 = tpu.memref_squeeze %dma_start3A_119 : memref<1x512xf32, #tpu.memory_space<vmem>> -> memref<512xf32, #tpu.memory_space<vmem>>
      %dma_start3A_121 = arith.constant 0 : i32
      %dma_start3A_122 = tpu.memref_slice %arg10[%dma_start3A_116, %dma_start3A_121] : memref<8x512xi32, #tpu.memory_space<vmem>> -> memref<1x512xi32, #tpu.memory_space<vmem>>
      %dma_start3A_123 = tpu.memref_squeeze %dma_start3A_122 : memref<1x512xi32, #tpu.memory_space<vmem>> -> memref<512xi32, #tpu.memory_space<vmem>>
      %dma_start3A_124 = arith.constant 0 : i32
      %dma_start3A_125 = tpu.memref_slice %arg5[%dma_start3A_124] : memref<100352xf32, #tpu.memory_space<vmem_shared>> -> memref<100352xf32, #tpu.memory_space<vmem_shared>>
      tpu.enqueue_indirect_dma source(%dma_start3A_125 : memref<100352xf32, #tpu.memory_space<vmem_shared>>) target(%dma_start3A_120 : memref<512xf32, #tpu.memory_space<vmem>>) offsets(%dma_start3A_123 : memref<512xi32, #tpu.memory_space<vmem>>) semaphore(%arg13 : memref<!tpu.dma_semaphore, #tpu.memory_space<semaphore_mem>>)
      %dma_start3A_126 = arith.constant 7 : i32
      %dma_start3A_127 = arith.constant 7 : i32
      %dma_start3A_128 = arith.constant 0 : i32
      %dma_start3A_129 = tpu.memref_slice %arg12[%dma_start3A_127, %dma_start3A_128] : memref<8x512xf32, #tpu.memory_space<vmem>> -> memref<1x512xf32, #tpu.memory_space<vmem>>
      %dma_start3A_130 = tpu.memref_squeeze %dma_start3A_129 : memref<1x512xf32, #tpu.memory_space<vmem>> -> memref<512xf32, #tpu.memory_space<vmem>>
      %dma_start3A_131 = arith.constant 0 : i32
      %dma_start3A_132 = tpu.memref_slice %arg10[%dma_start3A_126, %dma_start3A_131] : memref<8x512xi32, #tpu.memory_space<vmem>> -> memref<1x512xi32, #tpu.memory_space<vmem>>
      %dma_start3A_133 = tpu.memref_squeeze %dma_start3A_132 : memref<1x512xi32, #tpu.memory_space<vmem>> -> memref<512xi32, #tpu.memory_space<vmem>>
      %dma_start3A_134 = arith.constant 0 : i32
      %dma_start3A_135 = tpu.memref_slice %arg5[%dma_start3A_134] : memref<100352xf32, #tpu.memory_space<vmem_shared>> -> memref<100352xf32, #tpu.memory_space<vmem_shared>>
      tpu.enqueue_indirect_dma source(%dma_start3A_135 : memref<100352xf32, #tpu.memory_space<vmem_shared>>) target(%dma_start3A_130 : memref<512xf32, #tpu.memory_space<vmem>>) offsets(%dma_start3A_133 : memref<512xi32, #tpu.memory_space<vmem>>) semaphore(%arg13 : memref<!tpu.dma_semaphore, #tpu.memory_space<semaphore_mem>>)
      %dma_wait3A = arith.constant 0 : i32
      %dma_wait3A_136 = arith.constant 0 : i32
      %dma_wait3A_137 = arith.constant 0 : i32
      %dma_wait3A_138 = tpu.memref_slice %arg12[%dma_wait3A_136, %dma_wait3A_137] : memref<8x512xf32, #tpu.memory_space<vmem>> -> memref<1x512xf32, #tpu.memory_space<vmem>>
      %dma_wait3A_139 = tpu.memref_squeeze %dma_wait3A_138 : memref<1x512xf32, #tpu.memory_space<vmem>> -> memref<512xf32, #tpu.memory_space<vmem>>
      %dma_wait3A_140 = arith.constant 0 : i32
      %dma_wait3A_141 = tpu.memref_slice %arg10[%dma_wait3A, %dma_wait3A_140] : memref<8x512xi32, #tpu.memory_space<vmem>> -> memref<1x512xi32, #tpu.memory_space<vmem>>
      %dma_wait3A_142 = tpu.memref_squeeze %dma_wait3A_141 : memref<1x512xi32, #tpu.memory_space<vmem>> -> memref<512xi32, #tpu.memory_space<vmem>>
      %dma_wait3A_143 = arith.constant 0 : i32
      %dma_wait3A_144 = tpu.memref_slice %arg5[%dma_wait3A_143] : memref<100352xf32, #tpu.memory_space<vmem_shared>> -> memref<100352xf32, #tpu.memory_space<vmem_shared>>
      tpu.wait_indirect_dma semaphore(%arg13 : memref<!tpu.dma_semaphore, #tpu.memory_space<semaphore_mem>>) src(%dma_wait3A_144 : memref<100352xf32, #tpu.memory_space<vmem_shared>>) dst(%dma_wait3A_139 : memref<512xf32, #tpu.memory_space<vmem>>)
      %dma_start3A_145 = arith.constant 0 : i32
      %dma_start3A_146 = arith.constant 0 : i32
      %dma_start3A_147 = arith.constant 0 : i32
      %dma_start3A_148 = tpu.memref_slice %arg12[%dma_start3A_145, %dma_start3A_147] : memref<8x512xf32, #tpu.memory_space<vmem>> -> memref<1x512xf32, #tpu.memory_space<vmem>>
      %dma_start3A_149 = tpu.memref_squeeze %dma_start3A_148 : memref<1x512xf32, #tpu.memory_space<vmem>> -> memref<512xf32, #tpu.memory_space<vmem>>
      %dma_start3A_150 = arith.constant 0 : i32
      %dma_start3A_151 = tpu.memref_slice %arg11[%dma_start3A_146, %dma_start3A_150] : memref<8x512xi32, #tpu.memory_space<vmem>> -> memref<1x512xi32, #tpu.memory_space<vmem>>
      %dma_start3A_152 = tpu.memref_squeeze %dma_start3A_151 : memref<1x512xi32, #tpu.memory_space<vmem>> -> memref<512xi32, #tpu.memory_space<vmem>>
      %dma_start3A_153 = arith.constant 0 : i32
      %dma_start3A_154 = tpu.memref_slice %arg6[%dma_start3A_153] : memref<100352xf32, #tpu.memory_space<vmem_shared>> -> memref<100352xf32, #tpu.memory_space<vmem_shared>>
      tpu.enqueue_indirect_dma source(%dma_start3A_149 : memref<512xf32, #tpu.memory_space<vmem>>) target(%dma_start3A_154 : memref<100352xf32, #tpu.memory_space<vmem_shared>>) offsets(%dma_start3A_152 : memref<512xi32, #tpu.memory_space<vmem>>) semaphore(%arg14 : memref<!tpu.dma_semaphore, #tpu.memory_space<semaphore_mem>>) {add = true}
      %dma_wait3A_155 = arith.constant 1 : i32
      %dma_wait3A_156 = arith.constant 1 : i32
      %dma_wait3A_157 = arith.constant 0 : i32
      %dma_wait3A_158 = tpu.memref_slice %arg12[%dma_wait3A_156, %dma_wait3A_157] : memref<8x512xf32, #tpu.memory_space<vmem>> -> memref<1x512xf32, #tpu.memory_space<vmem>>
      %dma_wait3A_159 = tpu.memref_squeeze %dma_wait3A_158 : memref<1x512xf32, #tpu.memory_space<vmem>> -> memref<512xf32, #tpu.memory_space<vmem>>
      %dma_wait3A_160 = arith.constant 0 : i32
      %dma_wait3A_161 = tpu.memref_slice %arg10[%dma_wait3A_155, %dma_wait3A_160] : memref<8x512xi32, #tpu.memory_space<vmem>> -> memref<1x512xi32, #tpu.memory_space<vmem>>
      %dma_wait3A_162 = tpu.memref_squeeze %dma_wait3A_161 : memref<1x512xi32, #tpu.memory_space<vmem>> -> memref<512xi32, #tpu.memory_space<vmem>>
      %dma_wait3A_163 = arith.constant 0 : i32
      %dma_wait3A_164 = tpu.memref_slice %arg5[%dma_wait3A_163] : memref<100352xf32, #tpu.memory_space<vmem_shared>> -> memref<100352xf32, #tpu.memory_space<vmem_shared>>
      tpu.wait_indirect_dma semaphore(%arg13 : memref<!tpu.dma_semaphore, #tpu.memory_space<semaphore_mem>>) src(%dma_wait3A_164 : memref<100352xf32, #tpu.memory_space<vmem_shared>>) dst(%dma_wait3A_159 : memref<512xf32, #tpu.memory_space<vmem>>)
      %dma_start3A_165 = arith.constant 1 : i32
      %dma_start3A_166 = arith.constant 1 : i32
      %dma_start3A_167 = arith.constant 0 : i32
      %dma_start3A_168 = tpu.memref_slice %arg12[%dma_start3A_165, %dma_start3A_167] : memref<8x512xf32, #tpu.memory_space<vmem>> -> memref<1x512xf32, #tpu.memory_space<vmem>>
      %dma_start3A_169 = tpu.memref_squeeze %dma_start3A_168 : memref<1x512xf32, #tpu.memory_space<vmem>> -> memref<512xf32, #tpu.memory_space<vmem>>
      %dma_start3A_170 = arith.constant 0 : i32
      %dma_start3A_171 = tpu.memref_slice %arg11[%dma_start3A_166, %dma_start3A_170] : memref<8x512xi32, #tpu.memory_space<vmem>> -> memref<1x512xi32, #tpu.memory_space<vmem>>
      %dma_start3A_172 = tpu.memref_squeeze %dma_start3A_171 : memref<1x512xi32, #tpu.memory_space<vmem>> -> memref<512xi32, #tpu.memory_space<vmem>>
      %dma_start3A_173 = arith.constant 0 : i32
      %dma_start3A_174 = tpu.memref_slice %arg6[%dma_start3A_173] : memref<100352xf32, #tpu.memory_space<vmem_shared>> -> memref<100352xf32, #tpu.memory_space<vmem_shared>>
      tpu.enqueue_indirect_dma source(%dma_start3A_169 : memref<512xf32, #tpu.memory_space<vmem>>) target(%dma_start3A_174 : memref<100352xf32, #tpu.memory_space<vmem_shared>>) offsets(%dma_start3A_172 : memref<512xi32, #tpu.memory_space<vmem>>) semaphore(%arg14 : memref<!tpu.dma_semaphore, #tpu.memory_space<semaphore_mem>>) {add = true}
      %dma_wait3A_175 = arith.constant 2 : i32
      %dma_wait3A_176 = arith.constant 2 : i32
      %dma_wait3A_177 = arith.constant 0 : i32
      %dma_wait3A_178 = tpu.memref_slice %arg12[%dma_wait3A_176, %dma_wait3A_177] : memref<8x512xf32, #tpu.memory_space<vmem>> -> memref<1x512xf32, #tpu.memory_space<vmem>>
      %dma_wait3A_179 = tpu.memref_squeeze %dma_wait3A_178 : memref<1x512xf32, #tpu.memory_space<vmem>> -> memref<512xf32, #tpu.memory_space<vmem>>
      %dma_wait3A_180 = arith.constant 0 : i32
      %dma_wait3A_181 = tpu.memref_slice %arg10[%dma_wait3A_175, %dma_wait3A_180] : memref<8x512xi32, #tpu.memory_space<vmem>> -> memref<1x512xi32, #tpu.memory_space<vmem>>
      %dma_wait3A_182 = tpu.memref_squeeze %dma_wait3A_181 : memref<1x512xi32, #tpu.memory_space<vmem>> -> memref<512xi32, #tpu.memory_space<vmem>>
      %dma_wait3A_183 = arith.constant 0 : i32
      %dma_wait3A_184 = tpu.memref_slice %arg5[%dma_wait3A_183] : memref<100352xf32, #tpu.memory_space<vmem_shared>> -> memref<100352xf32, #tpu.memory_space<vmem_shared>>
      tpu.wait_indirect_dma semaphore(%arg13 : memref<!tpu.dma_semaphore, #tpu.memory_space<semaphore_mem>>) src(%dma_wait3A_184 : memref<100352xf32, #tpu.memory_space<vmem_shared>>) dst(%dma_wait3A_179 : memref<512xf32, #tpu.memory_space<vmem>>)
      %dma_start3A_185 = arith.constant 2 : i32
      %dma_start3A_186 = arith.constant 2 : i32
      %dma_start3A_187 = arith.constant 0 : i32
      %dma_start3A_188 = tpu.memref_slice %arg12[%dma_start3A_185, %dma_start3A_187] : memref<8x512xf32, #tpu.memory_space<vmem>> -> memref<1x512xf32, #tpu.memory_space<vmem>>
      %dma_start3A_189 = tpu.memref_squeeze %dma_start3A_188 : memref<1x512xf32, #tpu.memory_space<vmem>> -> memref<512xf32, #tpu.memory_space<vmem>>
      %dma_start3A_190 = arith.constant 0 : i32
      %dma_start3A_191 = tpu.memref_slice %arg11[%dma_start3A_186, %dma_start3A_190] : memref<8x512xi32, #tpu.memory_space<vmem>> -> memref<1x512xi32, #tpu.memory_space<vmem>>
      %dma_start3A_192 = tpu.memref_squeeze %dma_start3A_191 : memref<1x512xi32, #tpu.memory_space<vmem>> -> memref<512xi32, #tpu.memory_space<vmem>>
      %dma_start3A_193 = arith.constant 0 : i32
      %dma_start3A_194 = tpu.memref_slice %arg6[%dma_start3A_193] : memref<100352xf32, #tpu.memory_space<vmem_shared>> -> memref<100352xf32, #tpu.memory_space<vmem_shared>>
      tpu.enqueue_indirect_dma source(%dma_start3A_189 : memref<512xf32, #tpu.memory_space<vmem>>) target(%dma_start3A_194 : memref<100352xf32, #tpu.memory_space<vmem_shared>>) offsets(%dma_start3A_192 : memref<512xi32, #tpu.memory_space<vmem>>) semaphore(%arg14 : memref<!tpu.dma_semaphore, #tpu.memory_space<semaphore_mem>>) {add = true}
      %dma_wait3A_195 = arith.constant 3 : i32
      %dma_wait3A_196 = arith.constant 3 : i32
      %dma_wait3A_197 = arith.constant 0 : i32
      %dma_wait3A_198 = tpu.memref_slice %arg12[%dma_wait3A_196, %dma_wait3A_197] : memref<8x512xf32, #tpu.memory_space<vmem>> -> memref<1x512xf32, #tpu.memory_space<vmem>>
      %dma_wait3A_199 = tpu.memref_squeeze %dma_wait3A_198 : memref<1x512xf32, #tpu.memory_space<vmem>> -> memref<512xf32, #tpu.memory_space<vmem>>
      %dma_wait3A_200 = arith.constant 0 : i32
      %dma_wait3A_201 = tpu.memref_slice %arg10[%dma_wait3A_195, %dma_wait3A_200] : memref<8x512xi32, #tpu.memory_space<vmem>> -> memref<1x512xi32, #tpu.memory_space<vmem>>
      %dma_wait3A_202 = tpu.memref_squeeze %dma_wait3A_201 : memref<1x512xi32, #tpu.memory_space<vmem>> -> memref<512xi32, #tpu.memory_space<vmem>>
      %dma_wait3A_203 = arith.constant 0 : i32
      %dma_wait3A_204 = tpu.memref_slice %arg5[%dma_wait3A_203] : memref<100352xf32, #tpu.memory_space<vmem_shared>> -> memref<100352xf32, #tpu.memory_space<vmem_shared>>
      tpu.wait_indirect_dma semaphore(%arg13 : memref<!tpu.dma_semaphore, #tpu.memory_space<semaphore_mem>>) src(%dma_wait3A_204 : memref<100352xf32, #tpu.memory_space<vmem_shared>>) dst(%dma_wait3A_199 : memref<512xf32, #tpu.memory_space<vmem>>)
      %dma_start3A_205 = arith.constant 3 : i32
      %dma_start3A_206 = arith.constant 3 : i32
      %dma_start3A_207 = arith.constant 0 : i32
      %dma_start3A_208 = tpu.memref_slice %arg12[%dma_start3A_205, %dma_start3A_207] : memref<8x512xf32, #tpu.memory_space<vmem>> -> memref<1x512xf32, #tpu.memory_space<vmem>>
      %dma_start3A_209 = tpu.memref_squeeze %dma_start3A_208 : memref<1x512xf32, #tpu.memory_space<vmem>> -> memref<512xf32, #tpu.memory_space<vmem>>
      %dma_start3A_210 = arith.constant 0 : i32
      %dma_start3A_211 = tpu.memref_slice %arg11[%dma_start3A_206, %dma_start3A_210] : memref<8x512xi32, #tpu.memory_space<vmem>> -> memref<1x512xi32, #tpu.memory_space<vmem>>
      %dma_start3A_212 = tpu.memref_squeeze %dma_start3A_211 : memref<1x512xi32, #tpu.memory_space<vmem>> -> memref<512xi32, #tpu.memory_space<vmem>>
      %dma_start3A_213 = arith.constant 0 : i32
      %dma_start3A_214 = tpu.memref_slice %arg6[%dma_start3A_213] : memref<100352xf32, #tpu.memory_space<vmem_shared>> -> memref<100352xf32, #tpu.memory_space<vmem_shared>>
      tpu.enqueue_indirect_dma source(%dma_start3A_209 : memref<512xf32, #tpu.memory_space<vmem>>) target(%dma_start3A_214 : memref<100352xf32, #tpu.memory_space<vmem_shared>>) offsets(%dma_start3A_212 : memref<512xi32, #tpu.memory_space<vmem>>) semaphore(%arg14 : memref<!tpu.dma_semaphore, #tpu.memory_space<semaphore_mem>>) {add = true}
      %dma_wait3A_215 = arith.constant 4 : i32
      %dma_wait3A_216 = arith.constant 4 : i32
      %dma_wait3A_217 = arith.constant 0 : i32
      %dma_wait3A_218 = tpu.memref_slice %arg12[%dma_wait3A_216, %dma_wait3A_217] : memref<8x512xf32, #tpu.memory_space<vmem>> -> memref<1x512xf32, #tpu.memory_space<vmem>>
      %dma_wait3A_219 = tpu.memref_squeeze %dma_wait3A_218 : memref<1x512xf32, #tpu.memory_space<vmem>> -> memref<512xf32, #tpu.memory_space<vmem>>
      %dma_wait3A_220 = arith.constant 0 : i32
      %dma_wait3A_221 = tpu.memref_slice %arg10[%dma_wait3A_215, %dma_wait3A_220] : memref<8x512xi32, #tpu.memory_space<vmem>> -> memref<1x512xi32, #tpu.memory_space<vmem>>
      %dma_wait3A_222 = tpu.memref_squeeze %dma_wait3A_221 : memref<1x512xi32, #tpu.memory_space<vmem>> -> memref<512xi32, #tpu.memory_space<vmem>>
      %dma_wait3A_223 = arith.constant 0 : i32
      %dma_wait3A_224 = tpu.memref_slice %arg5[%dma_wait3A_223] : memref<100352xf32, #tpu.memory_space<vmem_shared>> -> memref<100352xf32, #tpu.memory_space<vmem_shared>>
      tpu.wait_indirect_dma semaphore(%arg13 : memref<!tpu.dma_semaphore, #tpu.memory_space<semaphore_mem>>) src(%dma_wait3A_224 : memref<100352xf32, #tpu.memory_space<vmem_shared>>) dst(%dma_wait3A_219 : memref<512xf32, #tpu.memory_space<vmem>>)
      %dma_start3A_225 = arith.constant 4 : i32
      %dma_start3A_226 = arith.constant 4 : i32
      %dma_start3A_227 = arith.constant 0 : i32
      %dma_start3A_228 = tpu.memref_slice %arg12[%dma_start3A_225, %dma_start3A_227] : memref<8x512xf32, #tpu.memory_space<vmem>> -> memref<1x512xf32, #tpu.memory_space<vmem>>
      %dma_start3A_229 = tpu.memref_squeeze %dma_start3A_228 : memref<1x512xf32, #tpu.memory_space<vmem>> -> memref<512xf32, #tpu.memory_space<vmem>>
      %dma_start3A_230 = arith.constant 0 : i32
      %dma_start3A_231 = tpu.memref_slice %arg11[%dma_start3A_226, %dma_start3A_230] : memref<8x512xi32, #tpu.memory_space<vmem>> -> memref<1x512xi32, #tpu.memory_space<vmem>>
      %dma_start3A_232 = tpu.memref_squeeze %dma_start3A_231 : memref<1x512xi32, #tpu.memory_space<vmem>> -> memref<512xi32, #tpu.memory_space<vmem>>
      %dma_start3A_233 = arith.constant 0 : i32
      %dma_start3A_234 = tpu.memref_slice %arg6[%dma_start3A_233] : memref<100352xf32, #tpu.memory_space<vmem_shared>> -> memref<100352xf32, #tpu.memory_space<vmem_shared>>
      tpu.enqueue_indirect_dma source(%dma_start3A_229 : memref<512xf32, #tpu.memory_space<vmem>>) target(%dma_start3A_234 : memref<100352xf32, #tpu.memory_space<vmem_shared>>) offsets(%dma_start3A_232 : memref<512xi32, #tpu.memory_space<vmem>>) semaphore(%arg14 : memref<!tpu.dma_semaphore, #tpu.memory_space<semaphore_mem>>) {add = true}
      %dma_wait3A_235 = arith.constant 5 : i32
      %dma_wait3A_236 = arith.constant 5 : i32
      %dma_wait3A_237 = arith.constant 0 : i32
      %dma_wait3A_238 = tpu.memref_slice %arg12[%dma_wait3A_236, %dma_wait3A_237] : memref<8x512xf32, #tpu.memory_space<vmem>> -> memref<1x512xf32, #tpu.memory_space<vmem>>
      %dma_wait3A_239 = tpu.memref_squeeze %dma_wait3A_238 : memref<1x512xf32, #tpu.memory_space<vmem>> -> memref<512xf32, #tpu.memory_space<vmem>>
      %dma_wait3A_240 = arith.constant 0 : i32
      %dma_wait3A_241 = tpu.memref_slice %arg10[%dma_wait3A_235, %dma_wait3A_240] : memref<8x512xi32, #tpu.memory_space<vmem>> -> memref<1x512xi32, #tpu.memory_space<vmem>>
      %dma_wait3A_242 = tpu.memref_squeeze %dma_wait3A_241 : memref<1x512xi32, #tpu.memory_space<vmem>> -> memref<512xi32, #tpu.memory_space<vmem>>
      %dma_wait3A_243 = arith.constant 0 : i32
      %dma_wait3A_244 = tpu.memref_slice %arg5[%dma_wait3A_243] : memref<100352xf32, #tpu.memory_space<vmem_shared>> -> memref<100352xf32, #tpu.memory_space<vmem_shared>>
      tpu.wait_indirect_dma semaphore(%arg13 : memref<!tpu.dma_semaphore, #tpu.memory_space<semaphore_mem>>) src(%dma_wait3A_244 : memref<100352xf32, #tpu.memory_space<vmem_shared>>) dst(%dma_wait3A_239 : memref<512xf32, #tpu.memory_space<vmem>>)
      %dma_start3A_245 = arith.constant 5 : i32
      %dma_start3A_246 = arith.constant 5 : i32
      %dma_start3A_247 = arith.constant 0 : i32
      %dma_start3A_248 = tpu.memref_slice %arg12[%dma_start3A_245, %dma_start3A_247] : memref<8x512xf32, #tpu.memory_space<vmem>> -> memref<1x512xf32, #tpu.memory_space<vmem>>
      %dma_start3A_249 = tpu.memref_squeeze %dma_start3A_248 : memref<1x512xf32, #tpu.memory_space<vmem>> -> memref<512xf32, #tpu.memory_space<vmem>>
      %dma_start3A_250 = arith.constant 0 : i32
      %dma_start3A_251 = tpu.memref_slice %arg11[%dma_start3A_246, %dma_start3A_250] : memref<8x512xi32, #tpu.memory_space<vmem>> -> memref<1x512xi32, #tpu.memory_space<vmem>>
      %dma_start3A_252 = tpu.memref_squeeze %dma_start3A_251 : memref<1x512xi32, #tpu.memory_space<vmem>> -> memref<512xi32, #tpu.memory_space<vmem>>
      %dma_start3A_253 = arith.constant 0 : i32
      %dma_start3A_254 = tpu.memref_slice %arg6[%dma_start3A_253] : memref<100352xf32, #tpu.memory_space<vmem_shared>> -> memref<100352xf32, #tpu.memory_space<vmem_shared>>
      tpu.enqueue_indirect_dma source(%dma_start3A_249 : memref<512xf32, #tpu.memory_space<vmem>>) target(%dma_start3A_254 : memref<100352xf32, #tpu.memory_space<vmem_shared>>) offsets(%dma_start3A_252 : memref<512xi32, #tpu.memory_space<vmem>>) semaphore(%arg14 : memref<!tpu.dma_semaphore, #tpu.memory_space<semaphore_mem>>) {add = true}
      %dma_wait3A_255 = arith.constant 6 : i32
      %dma_wait3A_256 = arith.constant 6 : i32
      %dma_wait3A_257 = arith.constant 0 : i32
      %dma_wait3A_258 = tpu.memref_slice %arg12[%dma_wait3A_256, %dma_wait3A_257] : memref<8x512xf32, #tpu.memory_space<vmem>> -> memref<1x512xf32, #tpu.memory_space<vmem>>
      %dma_wait3A_259 = tpu.memref_squeeze %dma_wait3A_258 : memref<1x512xf32, #tpu.memory_space<vmem>> -> memref<512xf32, #tpu.memory_space<vmem>>
      %dma_wait3A_260 = arith.constant 0 : i32
      %dma_wait3A_261 = tpu.memref_slice %arg10[%dma_wait3A_255, %dma_wait3A_260] : memref<8x512xi32, #tpu.memory_space<vmem>> -> memref<1x512xi32, #tpu.memory_space<vmem>>
      %dma_wait3A_262 = tpu.memref_squeeze %dma_wait3A_261 : memref<1x512xi32, #tpu.memory_space<vmem>> -> memref<512xi32, #tpu.memory_space<vmem>>
      %dma_wait3A_263 = arith.constant 0 : i32
      %dma_wait3A_264 = tpu.memref_slice %arg5[%dma_wait3A_263] : memref<100352xf32, #tpu.memory_space<vmem_shared>> -> memref<100352xf32, #tpu.memory_space<vmem_shared>>
      tpu.wait_indirect_dma semaphore(%arg13 : memref<!tpu.dma_semaphore, #tpu.memory_space<semaphore_mem>>) src(%dma_wait3A_264 : memref<100352xf32, #tpu.memory_space<vmem_shared>>) dst(%dma_wait3A_259 : memref<512xf32, #tpu.memory_space<vmem>>)
      %dma_start3A_265 = arith.constant 6 : i32
      %dma_start3A_266 = arith.constant 6 : i32
      %dma_start3A_267 = arith.constant 0 : i32
      %dma_start3A_268 = tpu.memref_slice %arg12[%dma_start3A_265, %dma_start3A_267] : memref<8x512xf32, #tpu.memory_space<vmem>> -> memref<1x512xf32, #tpu.memory_space<vmem>>
      %dma_start3A_269 = tpu.memref_squeeze %dma_start3A_268 : memref<1x512xf32, #tpu.memory_space<vmem>> -> memref<512xf32, #tpu.memory_space<vmem>>
      %dma_start3A_270 = arith.constant 0 : i32
      %dma_start3A_271 = tpu.memref_slice %arg11[%dma_start3A_266, %dma_start3A_270] : memref<8x512xi32, #tpu.memory_space<vmem>> -> memref<1x512xi32, #tpu.memory_space<vmem>>
      %dma_start3A_272 = tpu.memref_squeeze %dma_start3A_271 : memref<1x512xi32, #tpu.memory_space<vmem>> -> memref<512xi32, #tpu.memory_space<vmem>>
      %dma_start3A_273 = arith.constant 0 : i32
      %dma_start3A_274 = tpu.memref_slice %arg6[%dma_start3A_273] : memref<100352xf32, #tpu.memory_space<vmem_shared>> -> memref<100352xf32, #tpu.memory_space<vmem_shared>>
      tpu.enqueue_indirect_dma source(%dma_start3A_269 : memref<512xf32, #tpu.memory_space<vmem>>) target(%dma_start3A_274 : memref<100352xf32, #tpu.memory_space<vmem_shared>>) offsets(%dma_start3A_272 : memref<512xi32, #tpu.memory_space<vmem>>) semaphore(%arg14 : memref<!tpu.dma_semaphore, #tpu.memory_space<semaphore_mem>>) {add = true}
      %dma_wait3A_275 = arith.constant 7 : i32
      %dma_wait3A_276 = arith.constant 7 : i32
      %dma_wait3A_277 = arith.constant 0 : i32
      %dma_wait3A_278 = tpu.memref_slice %arg12[%dma_wait3A_276, %dma_wait3A_277] : memref<8x512xf32, #tpu.memory_space<vmem>> -> memref<1x512xf32, #tpu.memory_space<vmem>>
      %dma_wait3A_279 = tpu.memref_squeeze %dma_wait3A_278 : memref<1x512xf32, #tpu.memory_space<vmem>> -> memref<512xf32, #tpu.memory_space<vmem>>
      %dma_wait3A_280 = arith.constant 0 : i32
      %dma_wait3A_281 = tpu.memref_slice %arg10[%dma_wait3A_275, %dma_wait3A_280] : memref<8x512xi32, #tpu.memory_space<vmem>> -> memref<1x512xi32, #tpu.memory_space<vmem>>
      %dma_wait3A_282 = tpu.memref_squeeze %dma_wait3A_281 : memref<1x512xi32, #tpu.memory_space<vmem>> -> memref<512xi32, #tpu.memory_space<vmem>>
      %dma_wait3A_283 = arith.constant 0 : i32
      %dma_wait3A_284 = tpu.memref_slice %arg5[%dma_wait3A_283] : memref<100352xf32, #tpu.memory_space<vmem_shared>> -> memref<100352xf32, #tpu.memory_space<vmem_shared>>
      tpu.wait_indirect_dma semaphore(%arg13 : memref<!tpu.dma_semaphore, #tpu.memory_space<semaphore_mem>>) src(%dma_wait3A_284 : memref<100352xf32, #tpu.memory_space<vmem_shared>>) dst(%dma_wait3A_279 : memref<512xf32, #tpu.memory_space<vmem>>)
      %dma_start3A_285 = arith.constant 7 : i32
      %dma_start3A_286 = arith.constant 7 : i32
      %dma_start3A_287 = arith.constant 0 : i32
      %dma_start3A_288 = tpu.memref_slice %arg12[%dma_start3A_285, %dma_start3A_287] : memref<8x512xf32, #tpu.memory_space<vmem>> -> memref<1x512xf32, #tpu.memory_space<vmem>>
      %dma_start3A_289 = tpu.memref_squeeze %dma_start3A_288 : memref<1x512xf32, #tpu.memory_space<vmem>> -> memref<512xf32, #tpu.memory_space<vmem>>
      %dma_start3A_290 = arith.constant 0 : i32
      %dma_start3A_291 = tpu.memref_slice %arg11[%dma_start3A_286, %dma_start3A_290] : memref<8x512xi32, #tpu.memory_space<vmem>> -> memref<1x512xi32, #tpu.memory_space<vmem>>
      %dma_start3A_292 = tpu.memref_squeeze %dma_start3A_291 : memref<1x512xi32, #tpu.memory_space<vmem>> -> memref<512xi32, #tpu.memory_space<vmem>>
      %dma_start3A_293 = arith.constant 0 : i32
      %dma_start3A_294 = tpu.memref_slice %arg6[%dma_start3A_293] : memref<100352xf32, #tpu.memory_space<vmem_shared>> -> memref<100352xf32, #tpu.memory_space<vmem_shared>>
      tpu.enqueue_indirect_dma source(%dma_start3A_289 : memref<512xf32, #tpu.memory_space<vmem>>) target(%dma_start3A_294 : memref<100352xf32, #tpu.memory_space<vmem_shared>>) offsets(%dma_start3A_292 : memref<512xi32, #tpu.memory_space<vmem>>) semaphore(%arg14 : memref<!tpu.dma_semaphore, #tpu.memory_space<semaphore_mem>>) {add = true}
      %dma_wait3A_295 = arith.constant 0 : i32
      %dma_wait3A_296 = arith.constant 0 : i32
      %dma_wait3A_297 = arith.constant 0 : i32
      %dma_wait3A_298 = tpu.memref_slice %arg12[%dma_wait3A_295, %dma_wait3A_297] : memref<8x512xf32, #tpu.memory_space<vmem>> -> memref<1x512xf32, #tpu.memory_space<vmem>>
      %dma_wait3A_299 = tpu.memref_squeeze %dma_wait3A_298 : memref<1x512xf32, #tpu.memory_space<vmem>> -> memref<512xf32, #tpu.memory_space<vmem>>
      %dma_wait3A_300 = arith.constant 0 : i32
      %dma_wait3A_301 = tpu.memref_slice %arg11[%dma_wait3A_296, %dma_wait3A_300] : memref<8x512xi32, #tpu.memory_space<vmem>> -> memref<1x512xi32, #tpu.memory_space<vmem>>
      %dma_wait3A_302 = tpu.memref_squeeze %dma_wait3A_301 : memref<1x512xi32, #tpu.memory_space<vmem>> -> memref<512xi32, #tpu.memory_space<vmem>>
      %dma_wait3A_303 = arith.constant 0 : i32
      %dma_wait3A_304 = tpu.memref_slice %arg6[%dma_wait3A_303] : memref<100352xf32, #tpu.memory_space<vmem_shared>> -> memref<100352xf32, #tpu.memory_space<vmem_shared>>
      tpu.wait_indirect_dma semaphore(%arg14 : memref<!tpu.dma_semaphore, #tpu.memory_space<semaphore_mem>>) src(%dma_wait3A_299 : memref<512xf32, #tpu.memory_space<vmem>>) dst(%dma_wait3A_304 : memref<100352xf32, #tpu.memory_space<vmem_shared>>)
      %dma_wait3A_305 = arith.constant 1 : i32
      %dma_wait3A_306 = arith.constant 1 : i32
      %dma_wait3A_307 = arith.constant 0 : i32
      %dma_wait3A_308 = tpu.memref_slice %arg12[%dma_wait3A_305, %dma_wait3A_307] : memref<8x512xf32, #tpu.memory_space<vmem>> -> memref<1x512xf32, #tpu.memory_space<vmem>>
      %dma_wait3A_309 = tpu.memref_squeeze %dma_wait3A_308 : memref<1x512xf32, #tpu.memory_space<vmem>> -> memref<512xf32, #tpu.memory_space<vmem>>
      %dma_wait3A_310 = arith.constant 0 : i32
      %dma_wait3A_311 = tpu.memref_slice %arg11[%dma_wait3A_306, %dma_wait3A_310] : memref<8x512xi32, #tpu.memory_space<vmem>> -> memref<1x512xi32, #tpu.memory_space<vmem>>
      %dma_wait3A_312 = tpu.memref_squeeze %dma_wait3A_311 : memref<1x512xi32, #tpu.memory_space<vmem>> -> memref<512xi32, #tpu.memory_space<vmem>>
      %dma_wait3A_313 = arith.constant 0 : i32
      %dma_wait3A_314 = tpu.memref_slice %arg6[%dma_wait3A_313] : memref<100352xf32, #tpu.memory_space<vmem_shared>> -> memref<100352xf32, #tpu.memory_space<vmem_shared>>
      tpu.wait_indirect_dma semaphore(%arg14 : memref<!tpu.dma_semaphore, #tpu.memory_space<semaphore_mem>>) src(%dma_wait3A_309 : memref<512xf32, #tpu.memory_space<vmem>>) dst(%dma_wait3A_314 : memref<100352xf32, #tpu.memory_space<vmem_shared>>)
      %dma_wait3A_315 = arith.constant 2 : i32
      %dma_wait3A_316 = arith.constant 2 : i32
      %dma_wait3A_317 = arith.constant 0 : i32
      %dma_wait3A_318 = tpu.memref_slice %arg12[%dma_wait3A_315, %dma_wait3A_317] : memref<8x512xf32, #tpu.memory_space<vmem>> -> memref<1x512xf32, #tpu.memory_space<vmem>>
      %dma_wait3A_319 = tpu.memref_squeeze %dma_wait3A_318 : memref<1x512xf32, #tpu.memory_space<vmem>> -> memref<512xf32, #tpu.memory_space<vmem>>
      %dma_wait3A_320 = arith.constant 0 : i32
      %dma_wait3A_321 = tpu.memref_slice %arg11[%dma_wait3A_316, %dma_wait3A_320] : memref<8x512xi32, #tpu.memory_space<vmem>> -> memref<1x512xi32, #tpu.memory_space<vmem>>
      %dma_wait3A_322 = tpu.memref_squeeze %dma_wait3A_321 : memref<1x512xi32, #tpu.memory_space<vmem>> -> memref<512xi32, #tpu.memory_space<vmem>>
      %dma_wait3A_323 = arith.constant 0 : i32
      %dma_wait3A_324 = tpu.memref_slice %arg6[%dma_wait3A_323] : memref<100352xf32, #tpu.memory_space<vmem_shared>> -> memref<100352xf32, #tpu.memory_space<vmem_shared>>
      tpu.wait_indirect_dma semaphore(%arg14 : memref<!tpu.dma_semaphore, #tpu.memory_space<semaphore_mem>>) src(%dma_wait3A_319 : memref<512xf32, #tpu.memory_space<vmem>>) dst(%dma_wait3A_324 : memref<100352xf32, #tpu.memory_space<vmem_shared>>)
      %dma_wait3A_325 = arith.constant 3 : i32
      %dma_wait3A_326 = arith.constant 3 : i32
      %dma_wait3A_327 = arith.constant 0 : i32
      %dma_wait3A_328 = tpu.memref_slice %arg12[%dma_wait3A_325, %dma_wait3A_327] : memref<8x512xf32, #tpu.memory_space<vmem>> -> memref<1x512xf32, #tpu.memory_space<vmem>>
      %dma_wait3A_329 = tpu.memref_squeeze %dma_wait3A_328 : memref<1x512xf32, #tpu.memory_space<vmem>> -> memref<512xf32, #tpu.memory_space<vmem>>
      %dma_wait3A_330 = arith.constant 0 : i32
      %dma_wait3A_331 = tpu.memref_slice %arg11[%dma_wait3A_326, %dma_wait3A_330] : memref<8x512xi32, #tpu.memory_space<vmem>> -> memref<1x512xi32, #tpu.memory_space<vmem>>
      %dma_wait3A_332 = tpu.memref_squeeze %dma_wait3A_331 : memref<1x512xi32, #tpu.memory_space<vmem>> -> memref<512xi32, #tpu.memory_space<vmem>>
      %dma_wait3A_333 = arith.constant 0 : i32
      %dma_wait3A_334 = tpu.memref_slice %arg6[%dma_wait3A_333] : memref<100352xf32, #tpu.memory_space<vmem_shared>> -> memref<100352xf32, #tpu.memory_space<vmem_shared>>
      tpu.wait_indirect_dma semaphore(%arg14 : memref<!tpu.dma_semaphore, #tpu.memory_space<semaphore_mem>>) src(%dma_wait3A_329 : memref<512xf32, #tpu.memory_space<vmem>>) dst(%dma_wait3A_334 : memref<100352xf32, #tpu.memory_space<vmem_shared>>)
      %dma_wait3A_335 = arith.constant 4 : i32
      %dma_wait3A_336 = arith.constant 4 : i32
      %dma_wait3A_337 = arith.constant 0 : i32
      %dma_wait3A_338 = tpu.memref_slice %arg12[%dma_wait3A_335, %dma_wait3A_337] : memref<8x512xf32, #tpu.memory_space<vmem>> -> memref<1x512xf32, #tpu.memory_space<vmem>>
      %dma_wait3A_339 = tpu.memref_squeeze %dma_wait3A_338 : memref<1x512xf32, #tpu.memory_space<vmem>> -> memref<512xf32, #tpu.memory_space<vmem>>
      %dma_wait3A_340 = arith.constant 0 : i32
      %dma_wait3A_341 = tpu.memref_slice %arg11[%dma_wait3A_336, %dma_wait3A_340] : memref<8x512xi32, #tpu.memory_space<vmem>> -> memref<1x512xi32, #tpu.memory_space<vmem>>
      %dma_wait3A_342 = tpu.memref_squeeze %dma_wait3A_341 : memref<1x512xi32, #tpu.memory_space<vmem>> -> memref<512xi32, #tpu.memory_space<vmem>>
      %dma_wait3A_343 = arith.constant 0 : i32
      %dma_wait3A_344 = tpu.memref_slice %arg6[%dma_wait3A_343] : memref<100352xf32, #tpu.memory_space<vmem_shared>> -> memref<100352xf32, #tpu.memory_space<vmem_shared>>
      tpu.wait_indirect_dma semaphore(%arg14 : memref<!tpu.dma_semaphore, #tpu.memory_space<semaphore_mem>>) src(%dma_wait3A_339 : memref<512xf32, #tpu.memory_space<vmem>>) dst(%dma_wait3A_344 : memref<100352xf32, #tpu.memory_space<vmem_shared>>)
      %dma_wait3A_345 = arith.constant 5 : i32
      %dma_wait3A_346 = arith.constant 5 : i32
      %dma_wait3A_347 = arith.constant 0 : i32
      %dma_wait3A_348 = tpu.memref_slice %arg12[%dma_wait3A_345, %dma_wait3A_347] : memref<8x512xf32, #tpu.memory_space<vmem>> -> memref<1x512xf32, #tpu.memory_space<vmem>>
      %dma_wait3A_349 = tpu.memref_squeeze %dma_wait3A_348 : memref<1x512xf32, #tpu.memory_space<vmem>> -> memref<512xf32, #tpu.memory_space<vmem>>
      %dma_wait3A_350 = arith.constant 0 : i32
      %dma_wait3A_351 = tpu.memref_slice %arg11[%dma_wait3A_346, %dma_wait3A_350] : memref<8x512xi32, #tpu.memory_space<vmem>> -> memref<1x512xi32, #tpu.memory_space<vmem>>
      %dma_wait3A_352 = tpu.memref_squeeze %dma_wait3A_351 : memref<1x512xi32, #tpu.memory_space<vmem>> -> memref<512xi32, #tpu.memory_space<vmem>>
      %dma_wait3A_353 = arith.constant 0 : i32
      %dma_wait3A_354 = tpu.memref_slice %arg6[%dma_wait3A_353] : memref<100352xf32, #tpu.memory_space<vmem_shared>> -> memref<100352xf32, #tpu.memory_space<vmem_shared>>
      tpu.wait_indirect_dma semaphore(%arg14 : memref<!tpu.dma_semaphore, #tpu.memory_space<semaphore_mem>>) src(%dma_wait3A_349 : memref<512xf32, #tpu.memory_space<vmem>>) dst(%dma_wait3A_354 : memref<100352xf32, #tpu.memory_space<vmem_shared>>)
      %dma_wait3A_355 = arith.constant 6 : i32
      %dma_wait3A_356 = arith.constant 6 : i32
      %dma_wait3A_357 = arith.constant 0 : i32
      %dma_wait3A_358 = tpu.memref_slice %arg12[%dma_wait3A_355, %dma_wait3A_357] : memref<8x512xf32, #tpu.memory_space<vmem>> -> memref<1x512xf32, #tpu.memory_space<vmem>>
      %dma_wait3A_359 = tpu.memref_squeeze %dma_wait3A_358 : memref<1x512xf32, #tpu.memory_space<vmem>> -> memref<512xf32, #tpu.memory_space<vmem>>
      %dma_wait3A_360 = arith.constant 0 : i32
      %dma_wait3A_361 = tpu.memref_slice %arg11[%dma_wait3A_356, %dma_wait3A_360] : memref<8x512xi32, #tpu.memory_space<vmem>> -> memref<1x512xi32, #tpu.memory_space<vmem>>
      %dma_wait3A_362 = tpu.memref_squeeze %dma_wait3A_361 : memref<1x512xi32, #tpu.memory_space<vmem>> -> memref<512xi32, #tpu.memory_space<vmem>>
      %dma_wait3A_363 = arith.constant 0 : i32
      %dma_wait3A_364 = tpu.memref_slice %arg6[%dma_wait3A_363] : memref<100352xf32, #tpu.memory_space<vmem_shared>> -> memref<100352xf32, #tpu.memory_space<vmem_shared>>
      tpu.wait_indirect_dma semaphore(%arg14 : memref<!tpu.dma_semaphore, #tpu.memory_space<semaphore_mem>>) src(%dma_wait3A_359 : memref<512xf32, #tpu.memory_space<vmem>>) dst(%dma_wait3A_364 : memref<100352xf32, #tpu.memory_space<vmem_shared>>)
      %dma_wait3A_365 = arith.constant 7 : i32
      %dma_wait3A_366 = arith.constant 7 : i32
      %dma_wait3A_367 = arith.constant 0 : i32
      %dma_wait3A_368 = tpu.memref_slice %arg12[%dma_wait3A_365, %dma_wait3A_367] : memref<8x512xf32, #tpu.memory_space<vmem>> -> memref<1x512xf32, #tpu.memory_space<vmem>>
      %dma_wait3A_369 = tpu.memref_squeeze %dma_wait3A_368 : memref<1x512xf32, #tpu.memory_space<vmem>> -> memref<512xf32, #tpu.memory_space<vmem>>
      %dma_wait3A_370 = arith.constant 0 : i32
      %dma_wait3A_371 = tpu.memref_slice %arg11[%dma_wait3A_366, %dma_wait3A_370] : memref<8x512xi32, #tpu.memory_space<vmem>> -> memref<1x512xi32, #tpu.memory_space<vmem>>
      %dma_wait3A_372 = tpu.memref_squeeze %dma_wait3A_371 : memref<1x512xi32, #tpu.memory_space<vmem>> -> memref<512xi32, #tpu.memory_space<vmem>>
      %dma_wait3A_373 = arith.constant 0 : i32
      %dma_wait3A_374 = tpu.memref_slice %arg6[%dma_wait3A_373] : memref<100352xf32, #tpu.memory_space<vmem_shared>> -> memref<100352xf32, #tpu.memory_space<vmem_shared>>
      tpu.wait_indirect_dma semaphore(%arg14 : memref<!tpu.dma_semaphore, #tpu.memory_space<semaphore_mem>>) src(%dma_wait3A_369 : memref<512xf32, #tpu.memory_space<vmem>>) dst(%dma_wait3A_374 : memref<100352xf32, #tpu.memory_space<vmem_shared>>)
      %add3A_375 = arith.constant 8 : i32
      %add3A_376 = arith.addi %while3A_56, %add3A_375 : i32
      scf.yield %add3A_376 : i32
    }
    %while3A_52 = arith.constant 1 : i32
    %while3A_53 = scf.for %while3A_55 = %while3A_49 to %while3A_45 step %while3A_52 iter_args(%while3A_56 = %while3A_51) -> (i32)  : i32 {
      %multiple_of3A = tpu.assume_multiple %while3A_56, 8 : i32
      "tpu.region"() ({
        %run_scoped3A_377 = tpu.sem_alloc : memref<!tpu.dma_semaphore, #tpu.memory_space<semaphore_mem>>
        %dma_start3A_378 = arith.constant 0 : i32
        %dma_start3A_379 = tpu.memref_slice %arg3[%while3A_41, %multiple_of3A, %dma_start3A_378] : memref<2x3328x512xi32, #tpu.memory_space<hbm>> -> memref<1x8x512xi32, #tpu.memory_space<hbm>>
        %dma_start3A_380 = tpu.memref_squeeze %dma_start3A_379 : memref<1x8x512xi32, #tpu.memory_space<hbm>> -> memref<8x512xi32, #tpu.memory_space<hbm>>
        %dma_start3A_381 = arith.constant 0 : i32
        %dma_start3A_382 = tpu.memref_slice %arg3[%while3A_41, %multiple_of3A, %dma_start3A_381] : memref<2x3328x512xi32, #tpu.memory_space<hbm>> -> memref<1x8x512xi32, #tpu.memory_space<hbm>>
        %dma_start3A_383 = tpu.memref_squeeze %dma_start3A_382 : memref<1x8x512xi32, #tpu.memory_space<hbm>> -> memref<8x512xi32, #tpu.memory_space<hbm>>
        tpu.enqueue_dma source(%dma_start3A_383 : memref<8x512xi32, #tpu.memory_space<hbm>>) target(%arg10 : memref<8x512xi32, #tpu.memory_space<vmem>>) target_semaphore(%run_scoped3A_377 : memref<!tpu.dma_semaphore, #tpu.memory_space<semaphore_mem>>)
        %dma_wait3A_384 = arith.constant 0 : i32
        %dma_wait3A_385 = tpu.memref_slice %arg3[%while3A_41, %multiple_of3A, %dma_wait3A_384] : memref<2x3328x512xi32, #tpu.memory_space<hbm>> -> memref<1x8x512xi32, #tpu.memory_space<hbm>>
        %dma_wait3A_386 = tpu.memref_squeeze %dma_wait3A_385 : memref<1x8x512xi32, #tpu.memory_space<hbm>> -> memref<8x512xi32, #tpu.memory_space<hbm>>
        %dma_wait3A_387 = arith.constant 0 : i32
        %dma_wait3A_388 = tpu.memref_slice %arg3[%while3A_41, %multiple_of3A, %dma_wait3A_387] : memref<2x3328x512xi32, #tpu.memory_space<hbm>> -> memref<1x8x512xi32, #tpu.memory_space<hbm>>
        %dma_wait3A_389 = tpu.memref_squeeze %dma_wait3A_388 : memref<1x8x512xi32, #tpu.memory_space<hbm>> -> memref<8x512xi32, #tpu.memory_space<hbm>>
        tpu.wait_dma2 semaphore(%run_scoped3A_377 : memref<!tpu.dma_semaphore, #tpu.memory_space<semaphore_mem>>) src(%dma_wait3A_389 : memref<8x512xi32, #tpu.memory_space<hbm>>) dst(%arg10 : memref<8x512xi32, #tpu.memory_space<vmem>>)
        tpu.yield
      }) : () -> ()
      "tpu.region"() ({
        %run_scoped3A_377 = tpu.sem_alloc : memref<!tpu.dma_semaphore, #tpu.memory_space<semaphore_mem>>
        %dma_start3A_378 = arith.constant 0 : i32
        %dma_start3A_379 = tpu.memref_slice %arg3[%while3A_42, %multiple_of3A, %dma_start3A_378] : memref<2x3328x512xi32, #tpu.memory_space<hbm>> -> memref<1x8x512xi32, #tpu.memory_space<hbm>>
        %dma_start3A_380 = tpu.memref_squeeze %dma_start3A_379 : memref<1x8x512xi32, #tpu.memory_space<hbm>> -> memref<8x512xi32, #tpu.memory_space<hbm>>
        %dma_start3A_381 = arith.constant 0 : i32
        %dma_start3A_382 = tpu.memref_slice %arg3[%while3A_42, %multiple_of3A, %dma_start3A_381] : memref<2x3328x512xi32, #tpu.memory_space<hbm>> -> memref<1x8x512xi32, #tpu.memory_space<hbm>>
        %dma_start3A_383 = tpu.memref_squeeze %dma_start3A_382 : memref<1x8x512xi32, #tpu.memory_space<hbm>> -> memref<8x512xi32, #tpu.memory_space<hbm>>
        tpu.enqueue_dma source(%dma_start3A_383 : memref<8x512xi32, #tpu.memory_space<hbm>>) target(%arg11 : memref<8x512xi32, #tpu.memory_space<vmem>>) target_semaphore(%run_scoped3A_377 : memref<!tpu.dma_semaphore, #tpu.memory_space<semaphore_mem>>)
        %dma_wait3A_384 = arith.constant 0 : i32
        %dma_wait3A_385 = tpu.memref_slice %arg3[%while3A_42, %multiple_of3A, %dma_wait3A_384] : memref<2x3328x512xi32, #tpu.memory_space<hbm>> -> memref<1x8x512xi32, #tpu.memory_space<hbm>>
        %dma_wait3A_386 = tpu.memref_squeeze %dma_wait3A_385 : memref<1x8x512xi32, #tpu.memory_space<hbm>> -> memref<8x512xi32, #tpu.memory_space<hbm>>
        %dma_wait3A_387 = arith.constant 0 : i32
        %dma_wait3A_388 = tpu.memref_slice %arg3[%while3A_42, %multiple_of3A, %dma_wait3A_387] : memref<2x3328x512xi32, #tpu.memory_space<hbm>> -> memref<1x8x512xi32, #tpu.memory_space<hbm>>
        %dma_wait3A_389 = tpu.memref_squeeze %dma_wait3A_388 : memref<1x8x512xi32, #tpu.memory_space<hbm>> -> memref<8x512xi32, #tpu.memory_space<hbm>>
        tpu.wait_dma2 semaphore(%run_scoped3A_377 : memref<!tpu.dma_semaphore, #tpu.memory_space<semaphore_mem>>) src(%dma_wait3A_389 : memref<8x512xi32, #tpu.memory_space<hbm>>) dst(%arg11 : memref<8x512xi32, #tpu.memory_space<vmem>>)
        tpu.yield
      }) : () -> ()
      %dma_start3A = arith.constant 0 : i32
      %dma_start3A_57 = arith.constant 0 : i32
      %dma_start3A_58 = arith.constant 0 : i32
      %dma_start3A_59 = tpu.memref_slice %arg12[%dma_start3A_57, %dma_start3A_58] : memref<8x512xf32, #tpu.memory_space<vmem>> -> memref<1x512xf32, #tpu.memory_space<vmem>>
      %dma_start3A_60 = tpu.memref_squeeze %dma_start3A_59 : memref<1x512xf32, #tpu.memory_space<vmem>> -> memref<512xf32, #tpu.memory_space<vmem>>
      %dma_start3A_61 = arith.constant 0 : i32
      %dma_start3A_62 = tpu.memref_slice %arg10[%dma_start3A, %dma_start3A_61] : memref<8x512xi32, #tpu.memory_space<vmem>> -> memref<1x512xi32, #tpu.memory_space<vmem>>
      %dma_start3A_63 = tpu.memref_squeeze %dma_start3A_62 : memref<1x512xi32, #tpu.memory_space<vmem>> -> memref<512xi32, #tpu.memory_space<vmem>>
      %dma_start3A_64 = arith.constant 0 : i32
      %dma_start3A_65 = tpu.memref_slice %arg5[%dma_start3A_64] : memref<100352xf32, #tpu.memory_space<vmem_shared>> -> memref<100352xf32, #tpu.memory_space<vmem_shared>>
      tpu.enqueue_indirect_dma source(%dma_start3A_65 : memref<100352xf32, #tpu.memory_space<vmem_shared>>) target(%dma_start3A_60 : memref<512xf32, #tpu.memory_space<vmem>>) offsets(%dma_start3A_63 : memref<512xi32, #tpu.memory_space<vmem>>) semaphore(%arg13 : memref<!tpu.dma_semaphore, #tpu.memory_space<semaphore_mem>>)
      %dma_start3A_66 = arith.constant 1 : i32
      %dma_start3A_67 = arith.constant 1 : i32
      %dma_start3A_68 = arith.constant 0 : i32
      %dma_start3A_69 = tpu.memref_slice %arg12[%dma_start3A_67, %dma_start3A_68] : memref<8x512xf32, #tpu.memory_space<vmem>> -> memref<1x512xf32, #tpu.memory_space<vmem>>
      %dma_start3A_70 = tpu.memref_squeeze %dma_start3A_69 : memref<1x512xf32, #tpu.memory_space<vmem>> -> memref<512xf32, #tpu.memory_space<vmem>>
      %dma_start3A_71 = arith.constant 0 : i32
      %dma_start3A_72 = tpu.memref_slice %arg10[%dma_start3A_66, %dma_start3A_71] : memref<8x512xi32, #tpu.memory_space<vmem>> -> memref<1x512xi32, #tpu.memory_space<vmem>>
      %dma_start3A_73 = tpu.memref_squeeze %dma_start3A_72 : memref<1x512xi32, #tpu.memory_space<vmem>> -> memref<512xi32, #tpu.memory_space<vmem>>
      %dma_start3A_74 = arith.constant 0 : i32
      %dma_start3A_75 = tpu.memref_slice %arg5[%dma_start3A_74] : memref<100352xf32, #tpu.memory_space<vmem_shared>> -> memref<100352xf32, #tpu.memory_space<vmem_shared>>
      tpu.enqueue_indirect_dma source(%dma_start3A_75 : memref<100352xf32, #tpu.memory_space<vmem_shared>>) target(%dma_start3A_70 : memref<512xf32, #tpu.memory_space<vmem>>) offsets(%dma_start3A_73 : memref<512xi32, #tpu.memory_space<vmem>>) semaphore(%arg13 : memref<!tpu.dma_semaphore, #tpu.memory_space<semaphore_mem>>)
      %dma_start3A_76 = arith.constant 2 : i32
      %dma_start3A_77 = arith.constant 2 : i32
      %dma_start3A_78 = arith.constant 0 : i32
      %dma_start3A_79 = tpu.memref_slice %arg12[%dma_start3A_77, %dma_start3A_78] : memref<8x512xf32, #tpu.memory_space<vmem>> -> memref<1x512xf32, #tpu.memory_space<vmem>>
      %dma_start3A_80 = tpu.memref_squeeze %dma_start3A_79 : memref<1x512xf32, #tpu.memory_space<vmem>> -> memref<512xf32, #tpu.memory_space<vmem>>
      %dma_start3A_81 = arith.constant 0 : i32
      %dma_start3A_82 = tpu.memref_slice %arg10[%dma_start3A_76, %dma_start3A_81] : memref<8x512xi32, #tpu.memory_space<vmem>> -> memref<1x512xi32, #tpu.memory_space<vmem>>
      %dma_start3A_83 = tpu.memref_squeeze %dma_start3A_82 : memref<1x512xi32, #tpu.memory_space<vmem>> -> memref<512xi32, #tpu.memory_space<vmem>>
      %dma_start3A_84 = arith.constant 0 : i32
      %dma_start3A_85 = tpu.memref_slice %arg5[%dma_start3A_84] : memref<100352xf32, #tpu.memory_space<vmem_shared>> -> memref<100352xf32, #tpu.memory_space<vmem_shared>>
      tpu.enqueue_indirect_dma source(%dma_start3A_85 : memref<100352xf32, #tpu.memory_space<vmem_shared>>) target(%dma_start3A_80 : memref<512xf32, #tpu.memory_space<vmem>>) offsets(%dma_start3A_83 : memref<512xi32, #tpu.memory_space<vmem>>) semaphore(%arg13 : memref<!tpu.dma_semaphore, #tpu.memory_space<semaphore_mem>>)
      %dma_start3A_86 = arith.constant 3 : i32
      %dma_start3A_87 = arith.constant 3 : i32
      %dma_start3A_88 = arith.constant 0 : i32
      %dma_start3A_89 = tpu.memref_slice %arg12[%dma_start3A_87, %dma_start3A_88] : memref<8x512xf32, #tpu.memory_space<vmem>> -> memref<1x512xf32, #tpu.memory_space<vmem>>
      %dma_start3A_90 = tpu.memref_squeeze %dma_start3A_89 : memref<1x512xf32, #tpu.memory_space<vmem>> -> memref<512xf32, #tpu.memory_space<vmem>>
      %dma_start3A_91 = arith.constant 0 : i32
      %dma_start3A_92 = tpu.memref_slice %arg10[%dma_start3A_86, %dma_start3A_91] : memref<8x512xi32, #tpu.memory_space<vmem>> -> memref<1x512xi32, #tpu.memory_space<vmem>>
      %dma_start3A_93 = tpu.memref_squeeze %dma_start3A_92 : memref<1x512xi32, #tpu.memory_space<vmem>> -> memref<512xi32, #tpu.memory_space<vmem>>
      %dma_start3A_94 = arith.constant 0 : i32
      %dma_start3A_95 = tpu.memref_slice %arg5[%dma_start3A_94] : memref<100352xf32, #tpu.memory_space<vmem_shared>> -> memref<100352xf32, #tpu.memory_space<vmem_shared>>
      tpu.enqueue_indirect_dma source(%dma_start3A_95 : memref<100352xf32, #tpu.memory_space<vmem_shared>>) target(%dma_start3A_90 : memref<512xf32, #tpu.memory_space<vmem>>) offsets(%dma_start3A_93 : memref<512xi32, #tpu.memory_space<vmem>>) semaphore(%arg13 : memref<!tpu.dma_semaphore, #tpu.memory_space<semaphore_mem>>)
      %dma_start3A_96 = arith.constant 4 : i32
      %dma_start3A_97 = arith.constant 4 : i32
      %dma_start3A_98 = arith.constant 0 : i32
      %dma_start3A_99 = tpu.memref_slice %arg12[%dma_start3A_97, %dma_start3A_98] : memref<8x512xf32, #tpu.memory_space<vmem>> -> memref<1x512xf32, #tpu.memory_space<vmem>>
      %dma_start3A_100 = tpu.memref_squeeze %dma_start3A_99 : memref<1x512xf32, #tpu.memory_space<vmem>> -> memref<512xf32, #tpu.memory_space<vmem>>
      %dma_start3A_101 = arith.constant 0 : i32
      %dma_start3A_102 = tpu.memref_slice %arg10[%dma_start3A_96, %dma_start3A_101] : memref<8x512xi32, #tpu.memory_space<vmem>> -> memref<1x512xi32, #tpu.memory_space<vmem>>
      %dma_start3A_103 = tpu.memref_squeeze %dma_start3A_102 : memref<1x512xi32, #tpu.memory_space<vmem>> -> memref<512xi32, #tpu.memory_space<vmem>>
      %dma_start3A_104 = arith.constant 0 : i32
      %dma_start3A_105 = tpu.memref_slice %arg5[%dma_start3A_104] : memref<100352xf32, #tpu.memory_space<vmem_shared>> -> memref<100352xf32, #tpu.memory_space<vmem_shared>>
      tpu.enqueue_indirect_dma source(%dma_start3A_105 : memref<100352xf32, #tpu.memory_space<vmem_shared>>) target(%dma_start3A_100 : memref<512xf32, #tpu.memory_space<vmem>>) offsets(%dma_start3A_103 : memref<512xi32, #tpu.memory_space<vmem>>) semaphore(%arg13 : memref<!tpu.dma_semaphore, #tpu.memory_space<semaphore_mem>>)
      %dma_start3A_106 = arith.constant 5 : i32
      %dma_start3A_107 = arith.constant 5 : i32
      %dma_start3A_108 = arith.constant 0 : i32
      %dma_start3A_109 = tpu.memref_slice %arg12[%dma_start3A_107, %dma_start3A_108] : memref<8x512xf32, #tpu.memory_space<vmem>> -> memref<1x512xf32, #tpu.memory_space<vmem>>
      %dma_start3A_110 = tpu.memref_squeeze %dma_start3A_109 : memref<1x512xf32, #tpu.memory_space<vmem>> -> memref<512xf32, #tpu.memory_space<vmem>>
      %dma_start3A_111 = arith.constant 0 : i32
      %dma_start3A_112 = tpu.memref_slice %arg10[%dma_start3A_106, %dma_start3A_111] : memref<8x512xi32, #tpu.memory_space<vmem>> -> memref<1x512xi32, #tpu.memory_space<vmem>>
      %dma_start3A_113 = tpu.memref_squeeze %dma_start3A_112 : memref<1x512xi32, #tpu.memory_space<vmem>> -> memref<512xi32, #tpu.memory_space<vmem>>
      %dma_start3A_114 = arith.constant 0 : i32
      %dma_start3A_115 = tpu.memref_slice %arg5[%dma_start3A_114] : memref<100352xf32, #tpu.memory_space<vmem_shared>> -> memref<100352xf32, #tpu.memory_space<vmem_shared>>
      tpu.enqueue_indirect_dma source(%dma_start3A_115 : memref<100352xf32, #tpu.memory_space<vmem_shared>>) target(%dma_start3A_110 : memref<512xf32, #tpu.memory_space<vmem>>) offsets(%dma_start3A_113 : memref<512xi32, #tpu.memory_space<vmem>>) semaphore(%arg13 : memref<!tpu.dma_semaphore, #tpu.memory_space<semaphore_mem>>)
      %dma_start3A_116 = arith.constant 6 : i32
      %dma_start3A_117 = arith.constant 6 : i32
      %dma_start3A_118 = arith.constant 0 : i32
      %dma_start3A_119 = tpu.memref_slice %arg12[%dma_start3A_117, %dma_start3A_118] : memref<8x512xf32, #tpu.memory_space<vmem>> -> memref<1x512xf32, #tpu.memory_space<vmem>>
      %dma_start3A_120 = tpu.memref_squeeze %dma_start3A_119 : memref<1x512xf32, #tpu.memory_space<vmem>> -> memref<512xf32, #tpu.memory_space<vmem>>
      %dma_start3A_121 = arith.constant 0 : i32
      %dma_start3A_122 = tpu.memref_slice %arg10[%dma_start3A_116, %dma_start3A_121] : memref<8x512xi32, #tpu.memory_space<vmem>> -> memref<1x512xi32, #tpu.memory_space<vmem>>
      %dma_start3A_123 = tpu.memref_squeeze %dma_start3A_122 : memref<1x512xi32, #tpu.memory_space<vmem>> -> memref<512xi32, #tpu.memory_space<vmem>>
      %dma_start3A_124 = arith.constant 0 : i32
      %dma_start3A_125 = tpu.memref_slice %arg5[%dma_start3A_124] : memref<100352xf32, #tpu.memory_space<vmem_shared>> -> memref<100352xf32, #tpu.memory_space<vmem_shared>>
      tpu.enqueue_indirect_dma source(%dma_start3A_125 : memref<100352xf32, #tpu.memory_space<vmem_shared>>) target(%dma_start3A_120 : memref<512xf32, #tpu.memory_space<vmem>>) offsets(%dma_start3A_123 : memref<512xi32, #tpu.memory_space<vmem>>) semaphore(%arg13 : memref<!tpu.dma_semaphore, #tpu.memory_space<semaphore_mem>>)
      %dma_start3A_126 = arith.constant 7 : i32
      %dma_start3A_127 = arith.constant 7 : i32
      %dma_start3A_128 = arith.constant 0 : i32
      %dma_start3A_129 = tpu.memref_slice %arg12[%dma_start3A_127, %dma_start3A_128] : memref<8x512xf32, #tpu.memory_space<vmem>> -> memref<1x512xf32, #tpu.memory_space<vmem>>
      %dma_start3A_130 = tpu.memref_squeeze %dma_start3A_129 : memref<1x512xf32, #tpu.memory_space<vmem>> -> memref<512xf32, #tpu.memory_space<vmem>>
      %dma_start3A_131 = arith.constant 0 : i32
      %dma_start3A_132 = tpu.memref_slice %arg10[%dma_start3A_126, %dma_start3A_131] : memref<8x512xi32, #tpu.memory_space<vmem>> -> memref<1x512xi32, #tpu.memory_space<vmem>>
      %dma_start3A_133 = tpu.memref_squeeze %dma_start3A_132 : memref<1x512xi32, #tpu.memory_space<vmem>> -> memref<512xi32, #tpu.memory_space<vmem>>
      %dma_start3A_134 = arith.constant 0 : i32
      %dma_start3A_135 = tpu.memref_slice %arg5[%dma_start3A_134] : memref<100352xf32, #tpu.memory_space<vmem_shared>> -> memref<100352xf32, #tpu.memory_space<vmem_shared>>
      tpu.enqueue_indirect_dma source(%dma_start3A_135 : memref<100352xf32, #tpu.memory_space<vmem_shared>>) target(%dma_start3A_130 : memref<512xf32, #tpu.memory_space<vmem>>) offsets(%dma_start3A_133 : memref<512xi32, #tpu.memory_space<vmem>>) semaphore(%arg13 : memref<!tpu.dma_semaphore, #tpu.memory_space<semaphore_mem>>)
      %dma_wait3A = arith.constant 0 : i32
      %dma_wait3A_136 = arith.constant 0 : i32
      %dma_wait3A_137 = arith.constant 0 : i32
      %dma_wait3A_138 = tpu.memref_slice %arg12[%dma_wait3A_136, %dma_wait3A_137] : memref<8x512xf32, #tpu.memory_space<vmem>> -> memref<1x512xf32, #tpu.memory_space<vmem>>
      %dma_wait3A_139 = tpu.memref_squeeze %dma_wait3A_138 : memref<1x512xf32, #tpu.memory_space<vmem>> -> memref<512xf32, #tpu.memory_space<vmem>>
      %dma_wait3A_140 = arith.constant 0 : i32
      %dma_wait3A_141 = tpu.memref_slice %arg10[%dma_wait3A, %dma_wait3A_140] : memref<8x512xi32, #tpu.memory_space<vmem>> -> memref<1x512xi32, #tpu.memory_space<vmem>>
      %dma_wait3A_142 = tpu.memref_squeeze %dma_wait3A_141 : memref<1x512xi32, #tpu.memory_space<vmem>> -> memref<512xi32, #tpu.memory_space<vmem>>
      %dma_wait3A_143 = arith.constant 0 : i32
      %dma_wait3A_144 = tpu.memref_slice %arg5[%dma_wait3A_143] : memref<100352xf32, #tpu.memory_space<vmem_shared>> -> memref<100352xf32, #tpu.memory_space<vmem_shared>>
      tpu.wait_indirect_dma semaphore(%arg13 : memref<!tpu.dma_semaphore, #tpu.memory_space<semaphore_mem>>) src(%dma_wait3A_144 : memref<100352xf32, #tpu.memory_space<vmem_shared>>) dst(%dma_wait3A_139 : memref<512xf32, #tpu.memory_space<vmem>>)
      %dma_start3A_145 = arith.constant 0 : i32
      %dma_start3A_146 = arith.constant 0 : i32
      %dma_start3A_147 = arith.constant 0 : i32
      %dma_start3A_148 = tpu.memref_slice %arg12[%dma_start3A_145, %dma_start3A_147] : memref<8x512xf32, #tpu.memory_space<vmem>> -> memref<1x512xf32, #tpu.memory_space<vmem>>
      %dma_start3A_149 = tpu.memref_squeeze %dma_start3A_148 : memref<1x512xf32, #tpu.memory_space<vmem>> -> memref<512xf32, #tpu.memory_space<vmem>>
      %dma_start3A_150 = arith.constant 0 : i32
      %dma_start3A_151 = tpu.memref_slice %arg11[%dma_start3A_146, %dma_start3A_150] : memref<8x512xi32, #tpu.memory_space<vmem>> -> memref<1x512xi32, #tpu.memory_space<vmem>>
      %dma_start3A_152 = tpu.memref_squeeze %dma_start3A_151 : memref<1x512xi32, #tpu.memory_space<vmem>> -> memref<512xi32, #tpu.memory_space<vmem>>
      %dma_start3A_153 = arith.constant 0 : i32
      %dma_start3A_154 = tpu.memref_slice %arg6[%dma_start3A_153] : memref<100352xf32, #tpu.memory_space<vmem_shared>> -> memref<100352xf32, #tpu.memory_space<vmem_shared>>
      tpu.enqueue_indirect_dma source(%dma_start3A_149 : memref<512xf32, #tpu.memory_space<vmem>>) target(%dma_start3A_154 : memref<100352xf32, #tpu.memory_space<vmem_shared>>) offsets(%dma_start3A_152 : memref<512xi32, #tpu.memory_space<vmem>>) semaphore(%arg14 : memref<!tpu.dma_semaphore, #tpu.memory_space<semaphore_mem>>) {add = true}
      %dma_wait3A_155 = arith.constant 1 : i32
      %dma_wait3A_156 = arith.constant 1 : i32
      %dma_wait3A_157 = arith.constant 0 : i32
      %dma_wait3A_158 = tpu.memref_slice %arg12[%dma_wait3A_156, %dma_wait3A_157] : memref<8x512xf32, #tpu.memory_space<vmem>> -> memref<1x512xf32, #tpu.memory_space<vmem>>
      %dma_wait3A_159 = tpu.memref_squeeze %dma_wait3A_158 : memref<1x512xf32, #tpu.memory_space<vmem>> -> memref<512xf32, #tpu.memory_space<vmem>>
      %dma_wait3A_160 = arith.constant 0 : i32
      %dma_wait3A_161 = tpu.memref_slice %arg10[%dma_wait3A_155, %dma_wait3A_160] : memref<8x512xi32, #tpu.memory_space<vmem>> -> memref<1x512xi32, #tpu.memory_space<vmem>>
      %dma_wait3A_162 = tpu.memref_squeeze %dma_wait3A_161 : memref<1x512xi32, #tpu.memory_space<vmem>> -> memref<512xi32, #tpu.memory_space<vmem>>
      %dma_wait3A_163 = arith.constant 0 : i32
      %dma_wait3A_164 = tpu.memref_slice %arg5[%dma_wait3A_163] : memref<100352xf32, #tpu.memory_space<vmem_shared>> -> memref<100352xf32, #tpu.memory_space<vmem_shared>>
      tpu.wait_indirect_dma semaphore(%arg13 : memref<!tpu.dma_semaphore, #tpu.memory_space<semaphore_mem>>) src(%dma_wait3A_164 : memref<100352xf32, #tpu.memory_space<vmem_shared>>) dst(%dma_wait3A_159 : memref<512xf32, #tpu.memory_space<vmem>>)
      %dma_start3A_165 = arith.constant 1 : i32
      %dma_start3A_166 = arith.constant 1 : i32
      %dma_start3A_167 = arith.constant 0 : i32
      %dma_start3A_168 = tpu.memref_slice %arg12[%dma_start3A_165, %dma_start3A_167] : memref<8x512xf32, #tpu.memory_space<vmem>> -> memref<1x512xf32, #tpu.memory_space<vmem>>
      %dma_start3A_169 = tpu.memref_squeeze %dma_start3A_168 : memref<1x512xf32, #tpu.memory_space<vmem>> -> memref<512xf32, #tpu.memory_space<vmem>>
      %dma_start3A_170 = arith.constant 0 : i32
      %dma_start3A_171 = tpu.memref_slice %arg11[%dma_start3A_166, %dma_start3A_170] : memref<8x512xi32, #tpu.memory_space<vmem>> -> memref<1x512xi32, #tpu.memory_space<vmem>>
      %dma_start3A_172 = tpu.memref_squeeze %dma_start3A_171 : memref<1x512xi32, #tpu.memory_space<vmem>> -> memref<512xi32, #tpu.memory_space<vmem>>
      %dma_start3A_173 = arith.constant 0 : i32
      %dma_start3A_174 = tpu.memref_slice %arg6[%dma_start3A_173] : memref<100352xf32, #tpu.memory_space<vmem_shared>> -> memref<100352xf32, #tpu.memory_space<vmem_shared>>
      tpu.enqueue_indirect_dma source(%dma_start3A_169 : memref<512xf32, #tpu.memory_space<vmem>>) target(%dma_start3A_174 : memref<100352xf32, #tpu.memory_space<vmem_shared>>) offsets(%dma_start3A_172 : memref<512xi32, #tpu.memory_space<vmem>>) semaphore(%arg14 : memref<!tpu.dma_semaphore, #tpu.memory_space<semaphore_mem>>) {add = true}
      %dma_wait3A_175 = arith.constant 2 : i32
      %dma_wait3A_176 = arith.constant 2 : i32
      %dma_wait3A_177 = arith.constant 0 : i32
      %dma_wait3A_178 = tpu.memref_slice %arg12[%dma_wait3A_176, %dma_wait3A_177] : memref<8x512xf32, #tpu.memory_space<vmem>> -> memref<1x512xf32, #tpu.memory_space<vmem>>
      %dma_wait3A_179 = tpu.memref_squeeze %dma_wait3A_178 : memref<1x512xf32, #tpu.memory_space<vmem>> -> memref<512xf32, #tpu.memory_space<vmem>>
      %dma_wait3A_180 = arith.constant 0 : i32
      %dma_wait3A_181 = tpu.memref_slice %arg10[%dma_wait3A_175, %dma_wait3A_180] : memref<8x512xi32, #tpu.memory_space<vmem>> -> memref<1x512xi32, #tpu.memory_space<vmem>>
      %dma_wait3A_182 = tpu.memref_squeeze %dma_wait3A_181 : memref<1x512xi32, #tpu.memory_space<vmem>> -> memref<512xi32, #tpu.memory_space<vmem>>
      %dma_wait3A_183 = arith.constant 0 : i32
      %dma_wait3A_184 = tpu.memref_slice %arg5[%dma_wait3A_183] : memref<100352xf32, #tpu.memory_space<vmem_shared>> -> memref<100352xf32, #tpu.memory_space<vmem_shared>>
      tpu.wait_indirect_dma semaphore(%arg13 : memref<!tpu.dma_semaphore, #tpu.memory_space<semaphore_mem>>) src(%dma_wait3A_184 : memref<100352xf32, #tpu.memory_space<vmem_shared>>) dst(%dma_wait3A_179 : memref<512xf32, #tpu.memory_space<vmem>>)
      %dma_start3A_185 = arith.constant 2 : i32
      %dma_start3A_186 = arith.constant 2 : i32
      %dma_start3A_187 = arith.constant 0 : i32
      %dma_start3A_188 = tpu.memref_slice %arg12[%dma_start3A_185, %dma_start3A_187] : memref<8x512xf32, #tpu.memory_space<vmem>> -> memref<1x512xf32, #tpu.memory_space<vmem>>
      %dma_start3A_189 = tpu.memref_squeeze %dma_start3A_188 : memref<1x512xf32, #tpu.memory_space<vmem>> -> memref<512xf32, #tpu.memory_space<vmem>>
      %dma_start3A_190 = arith.constant 0 : i32
      %dma_start3A_191 = tpu.memref_slice %arg11[%dma_start3A_186, %dma_start3A_190] : memref<8x512xi32, #tpu.memory_space<vmem>> -> memref<1x512xi32, #tpu.memory_space<vmem>>
      %dma_start3A_192 = tpu.memref_squeeze %dma_start3A_191 : memref<1x512xi32, #tpu.memory_space<vmem>> -> memref<512xi32, #tpu.memory_space<vmem>>
      %dma_start3A_193 = arith.constant 0 : i32
      %dma_start3A_194 = tpu.memref_slice %arg6[%dma_start3A_193] : memref<100352xf32, #tpu.memory_space<vmem_shared>> -> memref<100352xf32, #tpu.memory_space<vmem_shared>>
      tpu.enqueue_indirect_dma source(%dma_start3A_189 : memref<512xf32, #tpu.memory_space<vmem>>) target(%dma_start3A_194 : memref<100352xf32, #tpu.memory_space<vmem_shared>>) offsets(%dma_start3A_192 : memref<512xi32, #tpu.memory_space<vmem>>) semaphore(%arg14 : memref<!tpu.dma_semaphore, #tpu.memory_space<semaphore_mem>>) {add = true}
      %dma_wait3A_195 = arith.constant 3 : i32
      %dma_wait3A_196 = arith.constant 3 : i32
      %dma_wait3A_197 = arith.constant 0 : i32
      %dma_wait3A_198 = tpu.memref_slice %arg12[%dma_wait3A_196, %dma_wait3A_197] : memref<8x512xf32, #tpu.memory_space<vmem>> -> memref<1x512xf32, #tpu.memory_space<vmem>>
      %dma_wait3A_199 = tpu.memref_squeeze %dma_wait3A_198 : memref<1x512xf32, #tpu.memory_space<vmem>> -> memref<512xf32, #tpu.memory_space<vmem>>
      %dma_wait3A_200 = arith.constant 0 : i32
      %dma_wait3A_201 = tpu.memref_slice %arg10[%dma_wait3A_195, %dma_wait3A_200] : memref<8x512xi32, #tpu.memory_space<vmem>> -> memref<1x512xi32, #tpu.memory_space<vmem>>
      %dma_wait3A_202 = tpu.memref_squeeze %dma_wait3A_201 : memref<1x512xi32, #tpu.memory_space<vmem>> -> memref<512xi32, #tpu.memory_space<vmem>>
      %dma_wait3A_203 = arith.constant 0 : i32
      %dma_wait3A_204 = tpu.memref_slice %arg5[%dma_wait3A_203] : memref<100352xf32, #tpu.memory_space<vmem_shared>> -> memref<100352xf32, #tpu.memory_space<vmem_shared>>
      tpu.wait_indirect_dma semaphore(%arg13 : memref<!tpu.dma_semaphore, #tpu.memory_space<semaphore_mem>>) src(%dma_wait3A_204 : memref<100352xf32, #tpu.memory_space<vmem_shared>>) dst(%dma_wait3A_199 : memref<512xf32, #tpu.memory_space<vmem>>)
      %dma_start3A_205 = arith.constant 3 : i32
      %dma_start3A_206 = arith.constant 3 : i32
      %dma_start3A_207 = arith.constant 0 : i32
      %dma_start3A_208 = tpu.memref_slice %arg12[%dma_start3A_205, %dma_start3A_207] : memref<8x512xf32, #tpu.memory_space<vmem>> -> memref<1x512xf32, #tpu.memory_space<vmem>>
      %dma_start3A_209 = tpu.memref_squeeze %dma_start3A_208 : memref<1x512xf32, #tpu.memory_space<vmem>> -> memref<512xf32, #tpu.memory_space<vmem>>
      %dma_start3A_210 = arith.constant 0 : i32
      %dma_start3A_211 = tpu.memref_slice %arg11[%dma_start3A_206, %dma_start3A_210] : memref<8x512xi32, #tpu.memory_space<vmem>> -> memref<1x512xi32, #tpu.memory_space<vmem>>
      %dma_start3A_212 = tpu.memref_squeeze %dma_start3A_211 : memref<1x512xi32, #tpu.memory_space<vmem>> -> memref<512xi32, #tpu.memory_space<vmem>>
      %dma_start3A_213 = arith.constant 0 : i32
      %dma_start3A_214 = tpu.memref_slice %arg6[%dma_start3A_213] : memref<100352xf32, #tpu.memory_space<vmem_shared>> -> memref<100352xf32, #tpu.memory_space<vmem_shared>>
      tpu.enqueue_indirect_dma source(%dma_start3A_209 : memref<512xf32, #tpu.memory_space<vmem>>) target(%dma_start3A_214 : memref<100352xf32, #tpu.memory_space<vmem_shared>>) offsets(%dma_start3A_212 : memref<512xi32, #tpu.memory_space<vmem>>) semaphore(%arg14 : memref<!tpu.dma_semaphore, #tpu.memory_space<semaphore_mem>>) {add = true}
      %dma_wait3A_215 = arith.constant 4 : i32
      %dma_wait3A_216 = arith.constant 4 : i32
      %dma_wait3A_217 = arith.constant 0 : i32
      %dma_wait3A_218 = tpu.memref_slice %arg12[%dma_wait3A_216, %dma_wait3A_217] : memref<8x512xf32, #tpu.memory_space<vmem>> -> memref<1x512xf32, #tpu.memory_space<vmem>>
      %dma_wait3A_219 = tpu.memref_squeeze %dma_wait3A_218 : memref<1x512xf32, #tpu.memory_space<vmem>> -> memref<512xf32, #tpu.memory_space<vmem>>
      %dma_wait3A_220 = arith.constant 0 : i32
      %dma_wait3A_221 = tpu.memref_slice %arg10[%dma_wait3A_215, %dma_wait3A_220] : memref<8x512xi32, #tpu.memory_space<vmem>> -> memref<1x512xi32, #tpu.memory_space<vmem>>
      %dma_wait3A_222 = tpu.memref_squeeze %dma_wait3A_221 : memref<1x512xi32, #tpu.memory_space<vmem>> -> memref<512xi32, #tpu.memory_space<vmem>>
      %dma_wait3A_223 = arith.constant 0 : i32
      %dma_wait3A_224 = tpu.memref_slice %arg5[%dma_wait3A_223] : memref<100352xf32, #tpu.memory_space<vmem_shared>> -> memref<100352xf32, #tpu.memory_space<vmem_shared>>
      tpu.wait_indirect_dma semaphore(%arg13 : memref<!tpu.dma_semaphore, #tpu.memory_space<semaphore_mem>>) src(%dma_wait3A_224 : memref<100352xf32, #tpu.memory_space<vmem_shared>>) dst(%dma_wait3A_219 : memref<512xf32, #tpu.memory_space<vmem>>)
      %dma_start3A_225 = arith.constant 4 : i32
      %dma_start3A_226 = arith.constant 4 : i32
      %dma_start3A_227 = arith.constant 0 : i32
      %dma_start3A_228 = tpu.memref_slice %arg12[%dma_start3A_225, %dma_start3A_227] : memref<8x512xf32, #tpu.memory_space<vmem>> -> memref<1x512xf32, #tpu.memory_space<vmem>>
      %dma_start3A_229 = tpu.memref_squeeze %dma_start3A_228 : memref<1x512xf32, #tpu.memory_space<vmem>> -> memref<512xf32, #tpu.memory_space<vmem>>
      %dma_start3A_230 = arith.constant 0 : i32
      %dma_start3A_231 = tpu.memref_slice %arg11[%dma_start3A_226, %dma_start3A_230] : memref<8x512xi32, #tpu.memory_space<vmem>> -> memref<1x512xi32, #tpu.memory_space<vmem>>
      %dma_start3A_232 = tpu.memref_squeeze %dma_start3A_231 : memref<1x512xi32, #tpu.memory_space<vmem>> -> memref<512xi32, #tpu.memory_space<vmem>>
      %dma_start3A_233 = arith.constant 0 : i32
      %dma_start3A_234 = tpu.memref_slice %arg6[%dma_start3A_233] : memref<100352xf32, #tpu.memory_space<vmem_shared>> -> memref<100352xf32, #tpu.memory_space<vmem_shared>>
      tpu.enqueue_indirect_dma source(%dma_start3A_229 : memref<512xf32, #tpu.memory_space<vmem>>) target(%dma_start3A_234 : memref<100352xf32, #tpu.memory_space<vmem_shared>>) offsets(%dma_start3A_232 : memref<512xi32, #tpu.memory_space<vmem>>) semaphore(%arg14 : memref<!tpu.dma_semaphore, #tpu.memory_space<semaphore_mem>>) {add = true}
      %dma_wait3A_235 = arith.constant 5 : i32
      %dma_wait3A_236 = arith.constant 5 : i32
      %dma_wait3A_237 = arith.constant 0 : i32
      %dma_wait3A_238 = tpu.memref_slice %arg12[%dma_wait3A_236, %dma_wait3A_237] : memref<8x512xf32, #tpu.memory_space<vmem>> -> memref<1x512xf32, #tpu.memory_space<vmem>>
      %dma_wait3A_239 = tpu.memref_squeeze %dma_wait3A_238 : memref<1x512xf32, #tpu.memory_space<vmem>> -> memref<512xf32, #tpu.memory_space<vmem>>
      %dma_wait3A_240 = arith.constant 0 : i32
      %dma_wait3A_241 = tpu.memref_slice %arg10[%dma_wait3A_235, %dma_wait3A_240] : memref<8x512xi32, #tpu.memory_space<vmem>> -> memref<1x512xi32, #tpu.memory_space<vmem>>
      %dma_wait3A_242 = tpu.memref_squeeze %dma_wait3A_241 : memref<1x512xi32, #tpu.memory_space<vmem>> -> memref<512xi32, #tpu.memory_space<vmem>>
      %dma_wait3A_243 = arith.constant 0 : i32
      %dma_wait3A_244 = tpu.memref_slice %arg5[%dma_wait3A_243] : memref<100352xf32, #tpu.memory_space<vmem_shared>> -> memref<100352xf32, #tpu.memory_space<vmem_shared>>
      tpu.wait_indirect_dma semaphore(%arg13 : memref<!tpu.dma_semaphore, #tpu.memory_space<semaphore_mem>>) src(%dma_wait3A_244 : memref<100352xf32, #tpu.memory_space<vmem_shared>>) dst(%dma_wait3A_239 : memref<512xf32, #tpu.memory_space<vmem>>)
      %dma_start3A_245 = arith.constant 5 : i32
      %dma_start3A_246 = arith.constant 5 : i32
      %dma_start3A_247 = arith.constant 0 : i32
      %dma_start3A_248 = tpu.memref_slice %arg12[%dma_start3A_245, %dma_start3A_247] : memref<8x512xf32, #tpu.memory_space<vmem>> -> memref<1x512xf32, #tpu.memory_space<vmem>>
      %dma_start3A_249 = tpu.memref_squeeze %dma_start3A_248 : memref<1x512xf32, #tpu.memory_space<vmem>> -> memref<512xf32, #tpu.memory_space<vmem>>
      %dma_start3A_250 = arith.constant 0 : i32
      %dma_start3A_251 = tpu.memref_slice %arg11[%dma_start3A_246, %dma_start3A_250] : memref<8x512xi32, #tpu.memory_space<vmem>> -> memref<1x512xi32, #tpu.memory_space<vmem>>
      %dma_start3A_252 = tpu.memref_squeeze %dma_start3A_251 : memref<1x512xi32, #tpu.memory_space<vmem>> -> memref<512xi32, #tpu.memory_space<vmem>>
      %dma_start3A_253 = arith.constant 0 : i32
      %dma_start3A_254 = tpu.memref_slice %arg6[%dma_start3A_253] : memref<100352xf32, #tpu.memory_space<vmem_shared>> -> memref<100352xf32, #tpu.memory_space<vmem_shared>>
      tpu.enqueue_indirect_dma source(%dma_start3A_249 : memref<512xf32, #tpu.memory_space<vmem>>) target(%dma_start3A_254 : memref<100352xf32, #tpu.memory_space<vmem_shared>>) offsets(%dma_start3A_252 : memref<512xi32, #tpu.memory_space<vmem>>) semaphore(%arg14 : memref<!tpu.dma_semaphore, #tpu.memory_space<semaphore_mem>>) {add = true}
      %dma_wait3A_255 = arith.constant 6 : i32
      %dma_wait3A_256 = arith.constant 6 : i32
      %dma_wait3A_257 = arith.constant 0 : i32
      %dma_wait3A_258 = tpu.memref_slice %arg12[%dma_wait3A_256, %dma_wait3A_257] : memref<8x512xf32, #tpu.memory_space<vmem>> -> memref<1x512xf32, #tpu.memory_space<vmem>>
      %dma_wait3A_259 = tpu.memref_squeeze %dma_wait3A_258 : memref<1x512xf32, #tpu.memory_space<vmem>> -> memref<512xf32, #tpu.memory_space<vmem>>
      %dma_wait3A_260 = arith.constant 0 : i32
      %dma_wait3A_261 = tpu.memref_slice %arg10[%dma_wait3A_255, %dma_wait3A_260] : memref<8x512xi32, #tpu.memory_space<vmem>> -> memref<1x512xi32, #tpu.memory_space<vmem>>
      %dma_wait3A_262 = tpu.memref_squeeze %dma_wait3A_261 : memref<1x512xi32, #tpu.memory_space<vmem>> -> memref<512xi32, #tpu.memory_space<vmem>>
      %dma_wait3A_263 = arith.constant 0 : i32
      %dma_wait3A_264 = tpu.memref_slice %arg5[%dma_wait3A_263] : memref<100352xf32, #tpu.memory_space<vmem_shared>> -> memref<100352xf32, #tpu.memory_space<vmem_shared>>
      tpu.wait_indirect_dma semaphore(%arg13 : memref<!tpu.dma_semaphore, #tpu.memory_space<semaphore_mem>>) src(%dma_wait3A_264 : memref<100352xf32, #tpu.memory_space<vmem_shared>>) dst(%dma_wait3A_259 : memref<512xf32, #tpu.memory_space<vmem>>)
      %dma_start3A_265 = arith.constant 6 : i32
      %dma_start3A_266 = arith.constant 6 : i32
      %dma_start3A_267 = arith.constant 0 : i32
      %dma_start3A_268 = tpu.memref_slice %arg12[%dma_start3A_265, %dma_start3A_267] : memref<8x512xf32, #tpu.memory_space<vmem>> -> memref<1x512xf32, #tpu.memory_space<vmem>>
      %dma_start3A_269 = tpu.memref_squeeze %dma_start3A_268 : memref<1x512xf32, #tpu.memory_space<vmem>> -> memref<512xf32, #tpu.memory_space<vmem>>
      %dma_start3A_270 = arith.constant 0 : i32
      %dma_start3A_271 = tpu.memref_slice %arg11[%dma_start3A_266, %dma_start3A_270] : memref<8x512xi32, #tpu.memory_space<vmem>> -> memref<1x512xi32, #tpu.memory_space<vmem>>
      %dma_start3A_272 = tpu.memref_squeeze %dma_start3A_271 : memref<1x512xi32, #tpu.memory_space<vmem>> -> memref<512xi32, #tpu.memory_space<vmem>>
      %dma_start3A_273 = arith.constant 0 : i32
      %dma_start3A_274 = tpu.memref_slice %arg6[%dma_start3A_273] : memref<100352xf32, #tpu.memory_space<vmem_shared>> -> memref<100352xf32, #tpu.memory_space<vmem_shared>>
      tpu.enqueue_indirect_dma source(%dma_start3A_269 : memref<512xf32, #tpu.memory_space<vmem>>) target(%dma_start3A_274 : memref<100352xf32, #tpu.memory_space<vmem_shared>>) offsets(%dma_start3A_272 : memref<512xi32, #tpu.memory_space<vmem>>) semaphore(%arg14 : memref<!tpu.dma_semaphore, #tpu.memory_space<semaphore_mem>>) {add = true}
      %dma_wait3A_275 = arith.constant 7 : i32
      %dma_wait3A_276 = arith.constant 7 : i32
      %dma_wait3A_277 = arith.constant 0 : i32
      %dma_wait3A_278 = tpu.memref_slice %arg12[%dma_wait3A_276, %dma_wait3A_277] : memref<8x512xf32, #tpu.memory_space<vmem>> -> memref<1x512xf32, #tpu.memory_space<vmem>>
      %dma_wait3A_279 = tpu.memref_squeeze %dma_wait3A_278 : memref<1x512xf32, #tpu.memory_space<vmem>> -> memref<512xf32, #tpu.memory_space<vmem>>
      %dma_wait3A_280 = arith.constant 0 : i32
      %dma_wait3A_281 = tpu.memref_slice %arg10[%dma_wait3A_275, %dma_wait3A_280] : memref<8x512xi32, #tpu.memory_space<vmem>> -> memref<1x512xi32, #tpu.memory_space<vmem>>
      %dma_wait3A_282 = tpu.memref_squeeze %dma_wait3A_281 : memref<1x512xi32, #tpu.memory_space<vmem>> -> memref<512xi32, #tpu.memory_space<vmem>>
      %dma_wait3A_283 = arith.constant 0 : i32
      %dma_wait3A_284 = tpu.memref_slice %arg5[%dma_wait3A_283] : memref<100352xf32, #tpu.memory_space<vmem_shared>> -> memref<100352xf32, #tpu.memory_space<vmem_shared>>
      tpu.wait_indirect_dma semaphore(%arg13 : memref<!tpu.dma_semaphore, #tpu.memory_space<semaphore_mem>>) src(%dma_wait3A_284 : memref<100352xf32, #tpu.memory_space<vmem_shared>>) dst(%dma_wait3A_279 : memref<512xf32, #tpu.memory_space<vmem>>)
      %dma_start3A_285 = arith.constant 7 : i32
      %dma_start3A_286 = arith.constant 7 : i32
      %dma_start3A_287 = arith.constant 0 : i32
      %dma_start3A_288 = tpu.memref_slice %arg12[%dma_start3A_285, %dma_start3A_287] : memref<8x512xf32, #tpu.memory_space<vmem>> -> memref<1x512xf32, #tpu.memory_space<vmem>>
      %dma_start3A_289 = tpu.memref_squeeze %dma_start3A_288 : memref<1x512xf32, #tpu.memory_space<vmem>> -> memref<512xf32, #tpu.memory_space<vmem>>
      %dma_start3A_290 = arith.constant 0 : i32
      %dma_start3A_291 = tpu.memref_slice %arg11[%dma_start3A_286, %dma_start3A_290] : memref<8x512xi32, #tpu.memory_space<vmem>> -> memref<1x512xi32, #tpu.memory_space<vmem>>
      %dma_start3A_292 = tpu.memref_squeeze %dma_start3A_291 : memref<1x512xi32, #tpu.memory_space<vmem>> -> memref<512xi32, #tpu.memory_space<vmem>>
      %dma_start3A_293 = arith.constant 0 : i32
      %dma_start3A_294 = tpu.memref_slice %arg6[%dma_start3A_293] : memref<100352xf32, #tpu.memory_space<vmem_shared>> -> memref<100352xf32, #tpu.memory_space<vmem_shared>>
      tpu.enqueue_indirect_dma source(%dma_start3A_289 : memref<512xf32, #tpu.memory_space<vmem>>) target(%dma_start3A_294 : memref<100352xf32, #tpu.memory_space<vmem_shared>>) offsets(%dma_start3A_292 : memref<512xi32, #tpu.memory_space<vmem>>) semaphore(%arg14 : memref<!tpu.dma_semaphore, #tpu.memory_space<semaphore_mem>>) {add = true}
      %dma_wait3A_295 = arith.constant 0 : i32
      %dma_wait3A_296 = arith.constant 0 : i32
      %dma_wait3A_297 = arith.constant 0 : i32
      %dma_wait3A_298 = tpu.memref_slice %arg12[%dma_wait3A_295, %dma_wait3A_297] : memref<8x512xf32, #tpu.memory_space<vmem>> -> memref<1x512xf32, #tpu.memory_space<vmem>>
      %dma_wait3A_299 = tpu.memref_squeeze %dma_wait3A_298 : memref<1x512xf32, #tpu.memory_space<vmem>> -> memref<512xf32, #tpu.memory_space<vmem>>
      %dma_wait3A_300 = arith.constant 0 : i32
      %dma_wait3A_301 = tpu.memref_slice %arg11[%dma_wait3A_296, %dma_wait3A_300] : memref<8x512xi32, #tpu.memory_space<vmem>> -> memref<1x512xi32, #tpu.memory_space<vmem>>
      %dma_wait3A_302 = tpu.memref_squeeze %dma_wait3A_301 : memref<1x512xi32, #tpu.memory_space<vmem>> -> memref<512xi32, #tpu.memory_space<vmem>>
      %dma_wait3A_303 = arith.constant 0 : i32
      %dma_wait3A_304 = tpu.memref_slice %arg6[%dma_wait3A_303] : memref<100352xf32, #tpu.memory_space<vmem_shared>> -> memref<100352xf32, #tpu.memory_space<vmem_shared>>
      tpu.wait_indirect_dma semaphore(%arg14 : memref<!tpu.dma_semaphore, #tpu.memory_space<semaphore_mem>>) src(%dma_wait3A_299 : memref<512xf32, #tpu.memory_space<vmem>>) dst(%dma_wait3A_304 : memref<100352xf32, #tpu.memory_space<vmem_shared>>)
      %dma_wait3A_305 = arith.constant 1 : i32
      %dma_wait3A_306 = arith.constant 1 : i32
      %dma_wait3A_307 = arith.constant 0 : i32
      %dma_wait3A_308 = tpu.memref_slice %arg12[%dma_wait3A_305, %dma_wait3A_307] : memref<8x512xf32, #tpu.memory_space<vmem>> -> memref<1x512xf32, #tpu.memory_space<vmem>>
      %dma_wait3A_309 = tpu.memref_squeeze %dma_wait3A_308 : memref<1x512xf32, #tpu.memory_space<vmem>> -> memref<512xf32, #tpu.memory_space<vmem>>
      %dma_wait3A_310 = arith.constant 0 : i32
      %dma_wait3A_311 = tpu.memref_slice %arg11[%dma_wait3A_306, %dma_wait3A_310] : memref<8x512xi32, #tpu.memory_space<vmem>> -> memref<1x512xi32, #tpu.memory_space<vmem>>
      %dma_wait3A_312 = tpu.memref_squeeze %dma_wait3A_311 : memref<1x512xi32, #tpu.memory_space<vmem>> -> memref<512xi32, #tpu.memory_space<vmem>>
      %dma_wait3A_313 = arith.constant 0 : i32
      %dma_wait3A_314 = tpu.memref_slice %arg6[%dma_wait3A_313] : memref<100352xf32, #tpu.memory_space<vmem_shared>> -> memref<100352xf32, #tpu.memory_space<vmem_shared>>
      tpu.wait_indirect_dma semaphore(%arg14 : memref<!tpu.dma_semaphore, #tpu.memory_space<semaphore_mem>>) src(%dma_wait3A_309 : memref<512xf32, #tpu.memory_space<vmem>>) dst(%dma_wait3A_314 : memref<100352xf32, #tpu.memory_space<vmem_shared>>)
      %dma_wait3A_315 = arith.constant 2 : i32
      %dma_wait3A_316 = arith.constant 2 : i32
      %dma_wait3A_317 = arith.constant 0 : i32
      %dma_wait3A_318 = tpu.memref_slice %arg12[%dma_wait3A_315, %dma_wait3A_317] : memref<8x512xf32, #tpu.memory_space<vmem>> -> memref<1x512xf32, #tpu.memory_space<vmem>>
      %dma_wait3A_319 = tpu.memref_squeeze %dma_wait3A_318 : memref<1x512xf32, #tpu.memory_space<vmem>> -> memref<512xf32, #tpu.memory_space<vmem>>
      %dma_wait3A_320 = arith.constant 0 : i32
      %dma_wait3A_321 = tpu.memref_slice %arg11[%dma_wait3A_316, %dma_wait3A_320] : memref<8x512xi32, #tpu.memory_space<vmem>> -> memref<1x512xi32, #tpu.memory_space<vmem>>
      %dma_wait3A_322 = tpu.memref_squeeze %dma_wait3A_321 : memref<1x512xi32, #tpu.memory_space<vmem>> -> memref<512xi32, #tpu.memory_space<vmem>>
      %dma_wait3A_323 = arith.constant 0 : i32
      %dma_wait3A_324 = tpu.memref_slice %arg6[%dma_wait3A_323] : memref<100352xf32, #tpu.memory_space<vmem_shared>> -> memref<100352xf32, #tpu.memory_space<vmem_shared>>
      tpu.wait_indirect_dma semaphore(%arg14 : memref<!tpu.dma_semaphore, #tpu.memory_space<semaphore_mem>>) src(%dma_wait3A_319 : memref<512xf32, #tpu.memory_space<vmem>>) dst(%dma_wait3A_324 : memref<100352xf32, #tpu.memory_space<vmem_shared>>)
      %dma_wait3A_325 = arith.constant 3 : i32
      %dma_wait3A_326 = arith.constant 3 : i32
      %dma_wait3A_327 = arith.constant 0 : i32
      %dma_wait3A_328 = tpu.memref_slice %arg12[%dma_wait3A_325, %dma_wait3A_327] : memref<8x512xf32, #tpu.memory_space<vmem>> -> memref<1x512xf32, #tpu.memory_space<vmem>>
      %dma_wait3A_329 = tpu.memref_squeeze %dma_wait3A_328 : memref<1x512xf32, #tpu.memory_space<vmem>> -> memref<512xf32, #tpu.memory_space<vmem>>
      %dma_wait3A_330 = arith.constant 0 : i32
      %dma_wait3A_331 = tpu.memref_slice %arg11[%dma_wait3A_326, %dma_wait3A_330] : memref<8x512xi32, #tpu.memory_space<vmem>> -> memref<1x512xi32, #tpu.memory_space<vmem>>
      %dma_wait3A_332 = tpu.memref_squeeze %dma_wait3A_331 : memref<1x512xi32, #tpu.memory_space<vmem>> -> memref<512xi32, #tpu.memory_space<vmem>>
      %dma_wait3A_333 = arith.constant 0 : i32
      %dma_wait3A_334 = tpu.memref_slice %arg6[%dma_wait3A_333] : memref<100352xf32, #tpu.memory_space<vmem_shared>> -> memref<100352xf32, #tpu.memory_space<vmem_shared>>
      tpu.wait_indirect_dma semaphore(%arg14 : memref<!tpu.dma_semaphore, #tpu.memory_space<semaphore_mem>>) src(%dma_wait3A_329 : memref<512xf32, #tpu.memory_space<vmem>>) dst(%dma_wait3A_334 : memref<100352xf32, #tpu.memory_space<vmem_shared>>)
      %dma_wait3A_335 = arith.constant 4 : i32
      %dma_wait3A_336 = arith.constant 4 : i32
      %dma_wait3A_337 = arith.constant 0 : i32
      %dma_wait3A_338 = tpu.memref_slice %arg12[%dma_wait3A_335, %dma_wait3A_337] : memref<8x512xf32, #tpu.memory_space<vmem>> -> memref<1x512xf32, #tpu.memory_space<vmem>>
      %dma_wait3A_339 = tpu.memref_squeeze %dma_wait3A_338 : memref<1x512xf32, #tpu.memory_space<vmem>> -> memref<512xf32, #tpu.memory_space<vmem>>
      %dma_wait3A_340 = arith.constant 0 : i32
      %dma_wait3A_341 = tpu.memref_slice %arg11[%dma_wait3A_336, %dma_wait3A_340] : memref<8x512xi32, #tpu.memory_space<vmem>> -> memref<1x512xi32, #tpu.memory_space<vmem>>
      %dma_wait3A_342 = tpu.memref_squeeze %dma_wait3A_341 : memref<1x512xi32, #tpu.memory_space<vmem>> -> memref<512xi32, #tpu.memory_space<vmem>>
      %dma_wait3A_343 = arith.constant 0 : i32
      %dma_wait3A_344 = tpu.memref_slice %arg6[%dma_wait3A_343] : memref<100352xf32, #tpu.memory_space<vmem_shared>> -> memref<100352xf32, #tpu.memory_space<vmem_shared>>
      tpu.wait_indirect_dma semaphore(%arg14 : memref<!tpu.dma_semaphore, #tpu.memory_space<semaphore_mem>>) src(%dma_wait3A_339 : memref<512xf32, #tpu.memory_space<vmem>>) dst(%dma_wait3A_344 : memref<100352xf32, #tpu.memory_space<vmem_shared>>)
      %dma_wait3A_345 = arith.constant 5 : i32
      %dma_wait3A_346 = arith.constant 5 : i32
      %dma_wait3A_347 = arith.constant 0 : i32
      %dma_wait3A_348 = tpu.memref_slice %arg12[%dma_wait3A_345, %dma_wait3A_347] : memref<8x512xf32, #tpu.memory_space<vmem>> -> memref<1x512xf32, #tpu.memory_space<vmem>>
      %dma_wait3A_349 = tpu.memref_squeeze %dma_wait3A_348 : memref<1x512xf32, #tpu.memory_space<vmem>> -> memref<512xf32, #tpu.memory_space<vmem>>
      %dma_wait3A_350 = arith.constant 0 : i32
      %dma_wait3A_351 = tpu.memref_slice %arg11[%dma_wait3A_346, %dma_wait3A_350] : memref<8x512xi32, #tpu.memory_space<vmem>> -> memref<1x512xi32, #tpu.memory_space<vmem>>
      %dma_wait3A_352 = tpu.memref_squeeze %dma_wait3A_351 : memref<1x512xi32, #tpu.memory_space<vmem>> -> memref<512xi32, #tpu.memory_space<vmem>>
      %dma_wait3A_353 = arith.constant 0 : i32
      %dma_wait3A_354 = tpu.memref_slice %arg6[%dma_wait3A_353] : memref<100352xf32, #tpu.memory_space<vmem_shared>> -> memref<100352xf32, #tpu.memory_space<vmem_shared>>
      tpu.wait_indirect_dma semaphore(%arg14 : memref<!tpu.dma_semaphore, #tpu.memory_space<semaphore_mem>>) src(%dma_wait3A_349 : memref<512xf32, #tpu.memory_space<vmem>>) dst(%dma_wait3A_354 : memref<100352xf32, #tpu.memory_space<vmem_shared>>)
      %dma_wait3A_355 = arith.constant 6 : i32
      %dma_wait3A_356 = arith.constant 6 : i32
      %dma_wait3A_357 = arith.constant 0 : i32
      %dma_wait3A_358 = tpu.memref_slice %arg12[%dma_wait3A_355, %dma_wait3A_357] : memref<8x512xf32, #tpu.memory_space<vmem>> -> memref<1x512xf32, #tpu.memory_space<vmem>>
      %dma_wait3A_359 = tpu.memref_squeeze %dma_wait3A_358 : memref<1x512xf32, #tpu.memory_space<vmem>> -> memref<512xf32, #tpu.memory_space<vmem>>
      %dma_wait3A_360 = arith.constant 0 : i32
      %dma_wait3A_361 = tpu.memref_slice %arg11[%dma_wait3A_356, %dma_wait3A_360] : memref<8x512xi32, #tpu.memory_space<vmem>> -> memref<1x512xi32, #tpu.memory_space<vmem>>
      %dma_wait3A_362 = tpu.memref_squeeze %dma_wait3A_361 : memref<1x512xi32, #tpu.memory_space<vmem>> -> memref<512xi32, #tpu.memory_space<vmem>>
      %dma_wait3A_363 = arith.constant 0 : i32
      %dma_wait3A_364 = tpu.memref_slice %arg6[%dma_wait3A_363] : memref<100352xf32, #tpu.memory_space<vmem_shared>> -> memref<100352xf32, #tpu.memory_space<vmem_shared>>
      tpu.wait_indirect_dma semaphore(%arg14 : memref<!tpu.dma_semaphore, #tpu.memory_space<semaphore_mem>>) src(%dma_wait3A_359 : memref<512xf32, #tpu.memory_space<vmem>>) dst(%dma_wait3A_364 : memref<100352xf32, #tpu.memory_space<vmem_shared>>)
      %dma_wait3A_365 = arith.constant 7 : i32
      %dma_wait3A_366 = arith.constant 7 : i32
      %dma_wait3A_367 = arith.constant 0 : i32
      %dma_wait3A_368 = tpu.memref_slice %arg12[%dma_wait3A_365, %dma_wait3A_367] : memref<8x512xf32, #tpu.memory_space<vmem>> -> memref<1x512xf32, #tpu.memory_space<vmem>>
      %dma_wait3A_369 = tpu.memref_squeeze %dma_wait3A_368 : memref<1x512xf32, #tpu.memory_space<vmem>> -> memref<512xf32, #tpu.memory_space<vmem>>
      %dma_wait3A_370 = arith.constant 0 : i32
      %dma_wait3A_371 = tpu.memref_slice %arg11[%dma_wait3A_366, %dma_wait3A_370] : memref<8x512xi32, #tpu.memory_space<vmem>> -> memref<1x512xi32, #tpu.memory_space<vmem>>
      %dma_wait3A_372 = tpu.memref_squeeze %dma_wait3A_371 : memref<1x512xi32, #tpu.memory_space<vmem>> -> memref<512xi32, #tpu.memory_space<vmem>>
      %dma_wait3A_373 = arith.constant 0 : i32
      %dma_wait3A_374 = tpu.memref_slice %arg6[%dma_wait3A_373] : memref<100352xf32, #tpu.memory_space<vmem_shared>> -> memref<100352xf32, #tpu.memory_space<vmem_shared>>
      tpu.wait_indirect_dma semaphore(%arg14 : memref<!tpu.dma_semaphore, #tpu.memory_space<semaphore_mem>>) src(%dma_wait3A_369 : memref<512xf32, #tpu.memory_space<vmem>>) dst(%dma_wait3A_374 : memref<100352xf32, #tpu.memory_space<vmem_shared>>)
      %add3A_375 = arith.constant 8 : i32
      %add3A_376 = arith.addi %while3A_56, %add3A_375 : i32
      scf.yield %add3A_376 : i32
    }
    %barrier3A_54 = arith.constant 0 : index
    tpu.barrier barrier_id(%barrier3A_54)
    "tpu.region"() ({
      %run_scoped3A_55 = tpu.sem_alloc : memref<!tpu.dma_semaphore, #tpu.memory_space<semaphore_mem>>
      %dma_start3A = tpu.memref_slice %arg4[%arg0, %mul3A_2] : memref<2x100352xf32, #tpu.memory_space<hbm>> -> memref<1x6272xf32, #tpu.memory_space<hbm>>
      %dma_start3A_56 = tpu.memref_squeeze %dma_start3A : memref<1x6272xf32, #tpu.memory_space<hbm>> -> memref<6272xf32, #tpu.memory_space<hbm>>
      %dma_start3A_57 = tpu.memref_slice %arg6[%mul3A_2] : memref<100352xf32, #tpu.memory_space<vmem_shared>> -> memref<6272xf32, #tpu.memory_space<vmem_shared>>
      tpu.enqueue_dma source(%dma_start3A_57 : memref<6272xf32, #tpu.memory_space<vmem_shared>>) target(%dma_start3A_56 : memref<6272xf32, #tpu.memory_space<hbm>>) target_semaphore(%run_scoped3A_55 : memref<!tpu.dma_semaphore, #tpu.memory_space<semaphore_mem>>)
      %dma_wait3A = tpu.memref_slice %arg4[%arg0, %mul3A_2] : memref<2x100352xf32, #tpu.memory_space<hbm>> -> memref<1x6272xf32, #tpu.memory_space<hbm>>
      %dma_wait3A_58 = tpu.memref_squeeze %dma_wait3A : memref<1x6272xf32, #tpu.memory_space<hbm>> -> memref<6272xf32, #tpu.memory_space<hbm>>
      %dma_wait3A_59 = tpu.memref_slice %arg6[%mul3A_2] : memref<100352xf32, #tpu.memory_space<vmem_shared>> -> memref<6272xf32, #tpu.memory_space<vmem_shared>>
      tpu.wait_dma2 semaphore(%run_scoped3A_55 : memref<!tpu.dma_semaphore, #tpu.memory_space<semaphore_mem>>) src(%dma_wait3A_59 : memref<6272xf32, #tpu.memory_space<vmem_shared>>) dst(%dma_wait3A_58 : memref<6272xf32, #tpu.memory_space<hbm>>)
      tpu.yield
    }) : () -> ()
    return
  }
}

module attributes {stable_mosaic.version = 14 : i64} {
  func.func @_tc_apply(%arg0: i32, %arg1: memref<1x56x128xf32, #tpu.memory_space<vmem>>, %arg2: memref<1x56x128xf32, #tpu.memory_space<vmem>>, %arg3: memref<1x56x128xf32, #tpu.memory_space<vmem>>, %arg4: memref<1x56x128xf32, #tpu.memory_space<vmem>>, %arg5: memref<56x128xf32, #tpu.memory_space<vmem>>) attributes {dimension_semantics = [#tpu.dimension_semantics<arbitrary>], iteration_bounds = array<i64: 14>, scalar_prefetch = 0 : i64, scratch_operands = 0 : i64, tpu.core_type = #tpu.core_type<tc>, window_params = [{transform_indices = @transform_0, window_bounds = array<i64: 1, 56, 128>}, {transform_indices = @transform_1, window_bounds = array<i64: 1, 56, 128>}, {transform_indices = @transform_2, window_bounds = array<i64: 1, 56, 128>}, {transform_indices = @transform_3, window_bounds = array<i64: 1, 56, 128>}, {transform_indices = @transform_4, window_bounds = array<i64: 56, 128>}]} {
    %get3A = arith.constant 0 : index
    %get3A_0 = arith.constant 0 : index
    %get3A_1 = arith.constant 0 : index
    %get3A_2 = vector.load %arg3[%get3A, %get3A_0, %get3A_1] : memref<1x56x128xf32, #tpu.memory_space<vmem>>, vector<1x56x128xf32>
    %get3A_3 = vector.shape_cast %get3A_2 : vector<1x56x128xf32> to vector<56x128xf32>
    %get3A_4 = arith.constant 0 : index
    %get3A_5 = arith.constant 0 : index
    %get3A_6 = arith.constant 0 : index
    %get3A_7 = vector.load %arg4[%get3A_4, %get3A_5, %get3A_6] : memref<1x56x128xf32, #tpu.memory_space<vmem>>, vector<1x56x128xf32>
    %get3A_8 = vector.shape_cast %get3A_7 : vector<1x56x128xf32> to vector<56x128xf32>
    %add3A = arith.addf %get3A_3, %get3A_8 : vector<56x128xf32>
    %get3A_9 = arith.constant 0 : index
    %get3A_10 = arith.constant 0 : index
    %get3A_11 = arith.constant 0 : index
    %get3A_12 = vector.load %arg1[%get3A_9, %get3A_10, %get3A_11] : memref<1x56x128xf32, #tpu.memory_space<vmem>>, vector<1x56x128xf32>
    %get3A_13 = vector.shape_cast %get3A_12 : vector<1x56x128xf32> to vector<56x128xf32>
    %get3A_14 = arith.constant 0 : index
    %get3A_15 = arith.constant 0 : index
    %get3A_16 = arith.constant 0 : index
    %get3A_17 = vector.load %arg2[%get3A_14, %get3A_15, %get3A_16] : memref<1x56x128xf32, #tpu.memory_space<vmem>>, vector<1x56x128xf32>
    %get3A_18 = vector.shape_cast %get3A_17 : vector<1x56x128xf32> to vector<56x128xf32>
    %sub3A = arith.constant 1.000000e+00 : f32
    %sub3A_19 = vector.broadcast %sub3A : f32 to vector<56x128xf32>
    %sub3A_20 = arith.subf %sub3A_19, %get3A_18 : vector<56x128xf32>
    %log3A = math.log %sub3A_20 : vector<56x128xf32>
    %log3A_21 = math.log %get3A_18 : vector<56x128xf32>
    %sub3A_22 = arith.subf %log3A, %log3A_21 : vector<56x128xf32>
    %mul3A = arith.mulf %add3A, %sub3A_22 : vector<56x128xf32>
    %sub3A_23 = arith.constant 1.000000e+00 : f32
    %sub3A_24 = vector.broadcast %sub3A_23 : f32 to vector<56x128xf32>
    %sub3A_25 = arith.subf %sub3A_24, %get3A_13 : vector<56x128xf32>
    %exp3A = math.exp %mul3A : vector<56x128xf32>
    %mul3A_26 = arith.mulf %sub3A_25, %exp3A : vector<56x128xf32>
    %add3A_27 = arith.addf %get3A_13, %mul3A_26 : vector<56x128xf32>
    %max3A = arith.constant 1.000000e-35 : f32
    %max3A_28 = vector.broadcast %max3A : f32 to vector<56x128xf32>
    %max3A_29 = arith.maximumf %add3A_27, %max3A_28 : vector<56x128xf32>
    %div3A = arith.divf %get3A_13, %max3A_29 : vector<56x128xf32>
    %swap3A = arith.constant 0 : index
    %swap3A_30 = arith.constant 0 : index
    %swap3A_31 = vector.load %arg5[%swap3A, %swap3A_30] : memref<56x128xf32, #tpu.memory_space<vmem>>, vector<56x128xf32>
    tpu.vector_store %arg5[%swap3A, %swap3A_30], %div3A {strides = array<i32>} : memref<56x128xf32, #tpu.memory_space<vmem>>, vector<56x128xf32>,
    return
  }
  func.func @transform_0(%arg0: i32) -> (i32, i32, i32) {
    %c0_i32 = arith.constant 0 : i32
    %c0_i32_0 = arith.constant 0 : i32
    %c0_i32_1 = arith.constant 0 : i32
    return %c0_i32, %arg0, %c0_i32_0 : i32, i32, i32
  }
  func.func @transform_1(%arg0: i32) -> (i32, i32, i32) {
    %c1_i32 = arith.constant 1 : i32
    %c0_i32 = arith.constant 0 : i32
    %c0_i32_0 = arith.constant 0 : i32
    return %c1_i32, %arg0, %c0_i32 : i32, i32, i32
  }
  func.func @transform_2(%arg0: i32) -> (i32, i32, i32) {
    %c0_i32 = arith.constant 0 : i32
    %c0_i32_0 = arith.constant 0 : i32
    %c0_i32_1 = arith.constant 0 : i32
    return %c0_i32, %arg0, %c0_i32_0 : i32, i32, i32
  }
  func.func @transform_3(%arg0: i32) -> (i32, i32, i32) {
    %c1_i32 = arith.constant 1 : i32
    %c0_i32 = arith.constant 0 : i32
    %c0_i32_0 = arith.constant 0 : i32
    return %c1_i32, %arg0, %c0_i32 : i32, i32, i32
  }
  func.func @transform_4(%arg0: i32) -> (i32, i32) {
    %c0_i32 = arith.constant 0 : i32
    %c0_i32_0 = arith.constant 0 : i32
    return %arg0, %c0_i32 : i32, i32
  }
}

</mosaic_0001>

<sc_bundles>
// kernel: kernel.4.cloned.1.call-start
scs
__scs_entry_jumppad:
0x0: {  	(pc) =	sbr.rel $0x88, $3  }
0x1: {  	(tag) =	ssettag $0x0;
	lr =	simm.s32 $0x1  }
0x2: {  	[smem:$0x3F9D] =	sst lr;
	_ =	strace $0xD0000000  }
0x3: {  	_ = 	snop  }
0x4: {  	_ = 	snop  }
0x5: {  	_ = 	snop  }
0x6: {  	_ = 	snop  }
0x7: {  	_ = 	snop  }
__scs_overlays_trampoline_lowered:
0x8: {  	[smem:$0x3FAC] =	sst s0  }
0x9: {  	[smem:$0x3FAD] =	sst s1  }
0xa: {  	[smem:$0x3FAE] =	sst s2  }
0xb: {  	[smem:$0x3FAF] =	sst s3  }
0xc: {  	[smem:$0x3FB0] =	sst s4  }
0xd: {  	[smem:$0x3FB1] =	sst s5  }
0xe: {  	[smem:$0x3FB2] =	sst s6  }
0xf: {  	[smem:$0x3FB3] =	sst s7  }
0x10: {  	[smem:$0x3FB4] =	sst s8  }
0x11: {  	[smem:$0x3FB5] =	sst s9;
	s0 =	simm.s32 @!p0 $0x0  }
0x12: {  	s1 =	sld [smem:$0x3F9B];
	s0 =	simm.s32 @p0 $0x1  }
0x13: {  	[smem:$0x3FB6] =	sst s0;
	s0 =	simm.s32 @!p1 $0x0  }
0x14: {  	s2 =	sld [smem:$0x3F9A];
	s0 =	simm.s32 @p1 $0x1  }
0x15: {  	[smem:$0x3FB7] =	sst s0;
	s0 =	simm.s32 @!p2 $0x0  }
0x16: {  	s3 =	sld [smem:$0x3FDB];
	s0 =	simm.s32 @p2 $0x1  }
0x17: {  	s4 =	simm.s32 $0x1BF5;
	[smem:$0x3FB9] =	sst s0  }
0x18: {  	s0 =	sld [smem:$0x3F9C];
	_ =	swait.ge [sflag:s4], $0x0  }
0x19: {  	s7 =	sld [smem:$0x3F9D]  }
0x1a: {  	s8 =	sadd.s32 $0xFFFFE003, lr  }
0x1b: {  	s9 =	sadd.s32 $0xFFFFFEF7, lr;
	s5 =	simm.s32 $0xFFFFFFFF;
	p2 =	slt.u32 s8, $0xFFFFF086  }
0x1c: {  	p1 =	slt.u32 s9, $0xF7A;
	s5 =	simm.s32 @!p2 $0x0  }
0x1d: {  	s5 =	simm.s32 @p1 $0x1;
	p0 =	seq.s32 s7, s2  }
0x1e: {  	s7 =	smul.u32 @!p0 $0xF7A, s2;
	p2 =	seq.s32 @!p0 s5, $0x0  }
0x1f: {  	s9 =	smul.u32 $0xF7A, s1;
	s8 =	simm.s32 @!p0 $0x1BF5;
	p2 =	por !p2, p0  }
0x20: {  	[sflag:s8] =	ssyncset.s32 @!p0 $0xFFFFF086;
	s6 =	sadd.s32 @!p0 s3, s7;
	s7 =	simm.s32 @!p0 $0x108  }
0x21: {  	s3 =	sadd.s32 s3, s9;
	s6 =	sadd.s32 @!p0 $0x88, s6;
	s7 =	simm.s32 @p2 $0x1082  }
0x22: {  	[simem:s7], [sflag:s8] =	dma.local @!p0 [hbm:s6], $0xF7A  }
0x23: {  	s9 =	sor.u32 $0xD0000000, s2;
	s6 =	simm.s32 $0x108;
	_ =	swait.ge @!p0 [sflag:s8], $0x0  }
0x24: {  	s3 =	sadd.s32 $0x88, s3;
	s6 =	simm.s32 @!p1 $0x1082;
	[sflag:s4] =	ssyncset.s32 $0xFFFFF086  }
0x25: {  	[simem:s6], [sflag:s4] =	dma.local [hbm:s3], $0xF7A  }
0x26: {  	[smem:$0x3F9D] =	sst s1;
	(tag) =	ssettag s2;
	_ =	strace s9  }
0x27: {  	s1 =	sld [smem:$0x3FAD]  }
0x28: {  	s2 =	sld [smem:$0x3FAE]  }
0x29: {  	s4 =	sld [smem:$0x3FB0]  }
0x2a: {  	p0 =	seq.s32 s5, $0x0;
	s5 =	sld [smem:$0x3FB1]  }
0x2b: {  	s6 =	sld [smem:$0x3FB2]  }
0x2c: {  	s7 =	sld [smem:$0x3FB3]  }
0x2d: {  	s3 =	simm.s32 $0x108;
	s8 =	sld [smem:$0x3FB4]  }
0x2e: {  	s3 =	simm.s32 @!p0 $0x1082;
	s9 =	sld [smem:$0x3FB5]  }
0x2f: {  	lr =	sadd.s32 s0, s3;
	s0 =	sld [smem:$0x3FAC]  }
0x30: {  	s3 =	sld [smem:$0x3FAF]  }
0x31: {  	[smem:$0x3FB8] =	sst s10  }
0x32: {  	s10 =	sld [smem:$0x3FB6];
	_ =	sdelay $0x3  }
0x33: {  	p0 =	seq.s32 s10, $0x1;
	s10 =	sld [smem:$0x3FB8];
	_ =	sdelay $0x3  }
0x34: {  	[smem:$0x3FB8] =	sst s10  }
0x35: {  	s10 =	sld [smem:$0x3FB7];
	_ =	sdelay $0x3  }
0x36: {  	p1 =	seq.s32 s10, $0x1;
	s10 =	sld [smem:$0x3FB8];
	_ =	sdelay $0x3  }
0x37: {  	[smem:$0x3FB8] =	sst s10  }
0x38: {  	s10 =	sld [smem:$0x3FB9]  }
0x39: {  	_ = 	snop;
	(pc) =	sbr.ind lr, $3  }
0x3a: {  	_ = 	snop  }
0x3b: {  	_ = 	snop  }
0x3c: {  	p2 =	seq.s32 s10, $0x1;
	s10 =	sld [smem:$0x3FB8]  }
0x3d: {  	_ =	shalt  }
0x3e: {  	_ =	shalt  }
0x3f: {  	_ =	shalt  }
0x40: {  	_ =	shalt  }
0x41: {  	_ =	shalt  }
0x42: {  	_ =	shalt  }
0x43: {  	_ =	shalt  }
0x44: {  	_ =	shalt  }
0x45: {  	_ =	shalt  }
0x46: {  	_ =	shalt  }
0x47: {  	_ =	shalt  }
0x48: {  	_ =	shalt  }
0x49: {  	_ =	shalt  }
0x4a: {  	_ =	shalt  }
0x4b: {  	_ =	shalt  }
0x4c: {  	_ =	shalt  }
0x4d: {  	_ =	shalt  }
0x4e: {  	_ =	shalt  }
0x4f: {  	_ =	shalt  }
0x50: {  	_ =	shalt  }
0x51: {  	_ =	shalt  }
0x52: {  	_ =	shalt  }
0x53: {  	_ =	shalt  }
0x54: {  	_ =	shalt  }
0x55: {  	_ =	shalt  }
0x56: {  	_ =	shalt  }
0x57: {  	_ =	shalt  }
0x58: {  	_ =	shalt  }
0x59: {  	_ =	shalt  }
0x5a: {  	_ =	shalt  }
0x5b: {  	_ =	shalt  }
0x5c: {  	_ =	shalt  }
0x5d: {  	_ =	shalt  }
0x5e: {  	_ =	shalt  }
0x5f: {  	_ =	shalt  }
0x60: {  	_ =	shalt  }
0x61: {  	_ =	shalt  }
0x62: {  	_ =	shalt  }
0x63: {  	_ =	shalt  }
0x64: {  	_ =	shalt  }
0x65: {  	_ =	shalt  }
0x66: {  	_ =	shalt  }
0x67: {  	_ =	shalt  }
0x68: {  	_ =	shalt  }
0x69: {  	_ =	shalt  }
0x6a: {  	_ =	shalt  }
0x6b: {  	_ =	shalt  }
0x6c: {  	_ =	shalt  }
0x6d: {  	_ =	shalt  }
0x6e: {  	_ =	shalt  }
0x6f: {  	_ =	shalt  }
0x70: {  	_ =	shalt  }
0x71: {  	_ =	shalt  }
0x72: {  	_ =	shalt  }
0x73: {  	_ =	shalt  }
0x74: {  	_ =	shalt  }
0x75: {  	_ =	shalt  }
0x76: {  	_ =	shalt  }
0x77: {  	_ =	shalt  }
0x78: {  	_ =	shalt  }
0x79: {  	_ =	shalt  }
0x7a: {  	_ =	shalt  }
0x7b: {  	_ =	shalt  }
0x7c: {  	_ =	shalt  }
0x7d: {  	_ =	shalt  }
0x7e: {  	_ =	shalt  }
0x7f: {  	_ =	shalt  }
0x80: {  	_ =	shalt  }
0x81: {  	_ =	shalt  }
0x82: {  	_ =	shalt  }
0x83: {  	_ =	shalt  }
0x84: {  	_ =	shalt  }
0x85: {  	_ =	shalt  }
0x86: {  	_ =	shalt  }
0x87: {  	_ =	shalt  }
.Lfunc_end0:
.L_simem_size_0:
called_computation_lowered:
.L_overlay_start_0:
0x88: {  	s2 =	sld [smem:$0x3FD9]  }
0x89: {  	s3 =	sld [smem:$0x3FFE];
	_ =	sdelay $0x1  }
0x8a: {  	s1 =	srdreg.scid  }
0x8b: {  	s0 =	sand.u32 $0x1, s1  }
0x8c: {  	s17 =	sshll.u32 s0, $0xA;
	s2 =	sadd.s32 s3, s2  }
0x8d: {  	s2 =	sadd.s32 s2, s17  }
0x8e: {  	[smem:$0x3FC4] =	sst s2  }
0x8f: {  	_ = 	snop  }
0x90: {  	s2 =	sld [smem:$0x3FD0];
	(tm) =	ssettm $0x1  }
0x91: {  	s18 =	sld [smem:$0x3FFB];
	_ =	sdelay $0x3  }
0x92: {  	_ =	strace s18  }
0x93: {  	s3 =	sld [smem:$0x3FFC];
	_ =	sdelay $0x3  }
0x94: {  	_ =	strace s3  }
0x95: {  	s3 =	sld [smem:$0x3FFD];
	_ =	sdelay $0x3  }
0x96: {  	_ =	strace s3  }
0x97: {  	_ =	strace $0x8FFFFFFF  }
0x98: {  	s19 =	sld [smem:$0x3FDB];
	_ =	sdelay $0x1  }
0x99: {  	s4 =	simm.s32 $_scs_section_size  }
0x9a: {  	s5 =	simm.s32 $_size__tile_overlayer_lowered;
	s6 =	simm.s32 $_tile_overlayer_lowered  }
0x9b: {  	s22 =	simm.s32 $0x1BFF;
	s21 =	sshll.u32 s6, $0x1;
	s3 =	sadd.s32 s4, s19  }
0x9c: {  	s7 =	simm.s32 $0x0;
	s20 =	sshll.u32 s5, $0x1;
	s5 =	sadd.s32 s21, s3  }
0x9d: {  	[timem:s7], [sflag:s22] =	dma.local [hbm:s5], s20  }
0x9e: {  	_ =	swait.ge [sflag:s22], s20  }
0x9f: {  	s4 =	ssub.s32 $0x0, s20;
	[sflag:s22] =	ssyncset.done $0x0  }
0xa0: {  	[sflag:s22] =	ssyncadd.s32 s4;
	_ =	sdelay $0x1  }
0xa1: {  	s23 =	simm.s32 $0x1B8B  }
0xa2: {  	_ =	swait.ge [sflag:s23], $0x1  }
0xa3: {  	[sflag:s23] =	ssyncset.done $0x0  }
0xa4: {  	s25 =	simm.s32 $0x1B8E;
	s24 =	sld [smem:$0x3FFE];
	[sflag:s23] =	ssyncadd.s32 $0xFFFFFFFF  }
0xa5: {  	s26 =	simm.s32 $execute0_lowered;
	[smem:$0x3FD2] =	sst s25  }
0xa6: {  	s5 =	sshll.u32 s26, $0x1;
	_ =	strace $0x80000046;
	[dreg:$0x1] =	wrdreg $0xFFFFFFFF  }
0xa7: {  	s28 =	simm.s32 $_size_execute0_lowered;
	s3 =	sadd.s32 s3, s5;
	[dreg:$0x0] =	wrdreg $0x0  }
0xa8: {  	s5 =	sshll.u32 s28, $0x1;
	[dreg:$0x2] =	wrdreg s3  }
0xa9: {  	[dreg:$0x3] =	wrdreg s5  }
0xaa: {  	[dreg:$0x4] =	wrdreg $0xC0  }
0xab: {  	_ =	task [dreg:s7], $0x5FFFF  }
0xac: {  	[dreg:$0x1] =	wrdreg $0xFFFFFFFF  }
0xad: {  	[dreg:$0x0] =	wrdreg $0x60  }
0xae: {  	[dreg:$0x2] =	wrdreg s24  }
0xaf: {  	[dreg:$0x3] =	wrdreg s2  }
0xb0: {  	[dreg:$0x4] =	wrdreg $0x0  }
0xb1: {  	[dreg:$0x5] =	wrdreg $0x18800  }
0xb2: {  	[dreg:$0x6] =	wrdreg $0x9  }
0xb3: {  	_ =	task.clear_ibuf [dreg:s7], $0x7FFFF;
	_ =	strace $0x90000046  }
0xb4: {  	s29 =	simm.s32 $0x9;
	_ =	strace $0x80000048  }
0xb5: {  	_ =	swait.ge [sflag:s29], $0x1  }
0xb6: {  	[sflag:s29] =	ssyncadd.s32 $0xFFFFFFFF  }
0xb7: {  	_ =	strace $0x90000048  }
0xb8: {  	_ =	sfence  }
0xb9: {  	s30 =	sld [smem:$0x0];
	_ =	sdelay $0x2  }
0xba: {  	s31 =	sshll.u32 s1, $0xD;
	s1 =	sshrl.u32 s1, $0x2  }
0xbb: {  	s3 =	sand.u32 $0x4000, s31;
	s1 =	sadd.s32 s1, s30  }
0xbc: {  	s0 =	sor.u32 s3, s0;
	s1 =	sshll.u32 s1, $0x11  }
0xbd: {  	s0 =	sor.u32 s1, s0  }
0xbe: {  	s0 =	sadd.s32 $0x8F2B, s0  }
0xbf: {  	[sflag:s0] =	ssyncadd.remote.s32 $0x1  }
0xc0: {  	_ =	sfence.sel $0xFFFF  }
0xc1: {  	[dreg:$0x0] =	wrdreg $0xFFFFFFFF;
	(pc) =	sbr.abs _section_cstart, $3  }
0xc2: {  	[dreg:$0x1] =	wrdreg $0xFFFFFFFF  }
0xc3: {  	_ =	task.clear_ibuf [dreg:s7], $0x2FFFF;
	_ =	strace $0x9FFFFFFF  }
0xc4: {  	(tm) =	ssettm $0x7FFFFFFF  }
0xc5: {  	_ =	shalt  }
tec
execute0_lowered:
.L_overlay_start_1:
0x0: {  	(tag) =	ssettag $0x1  }
0x1: {  	s0 =	rddreg [dreg:$0x0]  }
0x2: {  	s1 =	rddreg [dreg:$0x1]  }
0x3: {  	s2 =	rddreg [dreg:$0x2]  }
0x4: {  	s3 =	rddreg [dreg:$0x3];
	s8 =	stileid.u32  }
0x5: {  	s4 =	simm.s32 $0x0;
	s6 =	srdreg.scid;
	s14 =	simm.s32 $0x3  }
0x6: {  	s22 =	simm.s32 $0x7C80;
	s23 =	simm.s32 $0x7E80;
	s24 =	simm.s32 $0x8080  }
0x7: {  	s25 =	simm.s32 $0x8280;
	s26 =	simm.s32 $0x8480;
	s28 =	simm.s32 $0xA680  }
0x8: {  	s29 =	simm.s32 $0x8880;
	s30 =	simm.s32 $0xA880;
	s31 =	simm.s32 $0x1  }
0x9: {  	s13 =	simm.s32 $0x8E80;
	s15 =	simm.s32 $0x9080;
	s5 =	smul.u32 $0x1880, s8  }
0xa: {  	s7 =	smul.u32 $0x48, s8;
	[smem:$0x7FF] =	sst s4;
	s6 =	sand.u32 $0x1, s6  }
0xb: {  	s8 =	smul.u32 $0x88, s8;
	_ =	strace $0x80000047;
	[dreg:$0x5] =	wrdreg s22  }
0xc: {  	p0 =	seq.s32 s6, $0x0;
	s16 =	ssub.s32 $0x2, s6;
	[dreg:$0x6] =	wrdreg s23  }
0xd: {  	s6 =	smul.u32 $0x18800, s6;
	[dreg:$0x7] =	wrdreg s24;
	s22 =	simm.s32 $0x9E80  }
0xe: {  	[dreg:$0x8] =	wrdreg s25;
	s23 =	simm.s32 $0xA080;
	s24 =	simm.s32 $0xA280  }
0xf: {  	[dreg:$0x9] =	wrdreg s26;
	s25 =	simm.s32 $0xA480;
	s26 =	simm.s32 $0x8680  }
0x10: {  	s7 =	sadd.s32 $0x880, s7;
	s9 =	sshrl.u32 s5, $0x3;
	s10 =	sshrl.u32 s16, $0x1  }
0x11: {  	s20 =	sadd.s32 s5, s2;
	s7 =	smov.u32 @p0 s8;
	s9 =	sadd.s32 s9, s0  }
0x12: {  	s17 =	ssub.s32 s16, s10;
	s6 =	sadd.s32 s5, s6;
	[dreg:$0xc] =	wrdreg s20  }
0x13: {  	s8 =	simm.s32 $0x11;
	s5 =	sadd.s32 s5, s3;
	s20 =	simm.s32 $0x9A80  }
0x14: {  	s16 =	simm.s32 $0x2;
	s10 =	simm.s32 $0x0;
	s7 =	sshll.u32 s7, $0x6  }
0x15: {  	s18 =	sadd.s32 $0xC00, s9;
	s19 =	sadd.s32 $0x6E00, s9;
	[dreg:$0xe] =	wrdreg s5  }
0x16: {  	s6 =	sshrl.u32 s6, $0x3;
	s8 =	simm.s32 @!p0 $0x9;
	[dreg:$0xa] =	wrdreg s18  }
0x17: {  	s21 =	smax.u32 s17, $0x1;
	s17 =	simm.s32 $0x7A80;
	[dreg:$0xb] =	wrdreg s19  }
0x18: {  	s5 =	simm.s32 $0x9480;
	s0 =	sadd.s32 s7, s0;
	[dreg:$0xd] =	wrdreg s8  }
0x19: {  	s1 =	sadd.s32 s1, s6;
	[dreg:$0x10] =	wrdreg s21;
	s18 =	simm.s32 $0x8A80  }
0x1a: {  	s19 =	simm.s32 $0x200;
	s21 =	simm.s32 $0x9C80;
	s6 =	simm.s32 $0x9680  }
0x1b: {  	v0 =	vimm.f32 $1.000000000e+00;
	s7 =	simm.s32 $0x9880;
	[dreg:$0xf] =	wrdreg s1;
	s0 =	sadd.s32 $0xA000, s0  }
0x1c: {  	v1 =	vimm.f32 $0.0e+00;
	v0 =	vand.u32 $0x7FFFFFFF, v0;
	s1 =	simm.s32 $0x9280;
	[dreg:$0x11] =	wrdreg s0;
	s0 =	simm.s32 $0x8C80  }
.LBB2_1:
0x1d: {  	s8 =	rddreg [dreg:$0xa];
	s9 =	simm.s32 $0x3100  }
0x1e: {  	[tilespmem:s9], [sflag:$0x3] =	stream.linear.gather [hbm4b:s8+s4], $0x1880, $0x38;
	[tilespmem:$0xAA80] =	vst v63  }
0x1f: {  	_ =	swait.ge [sflag:s14], $0x1880  }
0x20: {  	[sflag:s14] =	ssyncset.done $0x0  }
0x21: {  	s12 =	simm.s32 $0x4980;
	s11 =	rddreg [dreg:$0xb];
	[sflag:s14] =	ssyncadd.s32 $0xFFFFE780  }
0x22: {  	[tilespmem:s12], [sflag:$0x3] =	stream.linear.gather [hbm4b:s11+s4], $0x1880, $0x38;
	[tilespmem:$0xAA80] =	vst v63  }
0x23: {  	_ =	swait.ge [sflag:s14], $0x1880  }
0x24: {  	[sflag:s14] =	ssyncset.done $0x0  }
0x25: {  	s11 =	simm.s32 $0x0;
	[sflag:s14] =	ssyncadd.s32 $0xFFFFE780  }
0x26: {  	v2 =	vld [tilespmem:s11+$0x3100];
	_ =	sdelay $0x2  }
0x27: {  	v3 =	vld [tilespmem:s11+$0x4980];
	_ =	sdelay $0x1  }
0x28: {  	v4 =	vadd.f32 $-5.000000000e-01, v2;
	_ =	sdelay $0x1  }
0x29: {  	s12 =	simm.s32 $0x10;
	v2 =	vand.u32 $0x80000000, v4;
	vm0 =	vlt.f32 v4, $0.0e+00;
	vm1 =	vgt.f32 v4, $0.0e+00  }
0x2a: {  	v5 =	vadd.f32 v3, v3;
	v3 =	vor.u32 v2, v0;
	vm0 =	vmor vm1, vm0;
	v2 =	vld [tilespmem:s12+$0x3100]  }
0x2b: {  	v6 =	vsel vm0, v3, v4;
	v3 =	vld [tilespmem:s12+$0x4980];
	_ =	sdelay $0x1  }
0x2c: {  	v4 =	vadd.f32 $-1.000000000e+01, v5  }
0x2d: {  	s8 =	simm.s32 $0x80;
	v5 =	vmax.f32 v6, $0.0e+00  }
.LBB2_2:
0x2e: {  	s9 =	sshra.s32 s8, $0x2;
	p0 =	sne.s32 s8, $0x61C0;
	s8 =	sadd.s32 $0x40, s8;
	v6 =	vadd.f32 $-5.000000000e-01, v2;
	v4 =	vmul.f32 v5, v4  }
.Ltmp0:
0x2f: {  	v2 =	vld [tilespmem:s9+$0x3100];
	v5 =	vadd.f32 v3, v3;
	(pc) =	sbr.rel @p0 .LBB2_2-.Ltmp0, $4  }
0x30: {  	v3 =	vld [tilespmem:s9+$0x4980];
	v7 =	vand.u32 $0x80000000, v6;
	vm0 =	vlt.f32 v6, $0.0e+00;
	vm1 =	vgt.f32 v6, $0.0e+00;
	[tilespmem:s11+$0x6200] =	vst v4;
	s11 =	smov.u32 s12;
	s12 =	smov.u32 s9  }
0x31: {  	v4 =	vor.u32 v7, v0;
	vm0 =	vmor vm1, vm0  }
0x32: {  	v6 =	vsel vm0, v4, v6;
	v4 =	vadd.f32 $-1.000000000e+01, v5  }
0x33: {  	v5 =	vmax.f32 v6, $0.0e+00  }
0x34: {  	v2 =	vadd.f32 $-5.000000000e-01, v2  }
0x35: {  	v3 =	vadd.f32 v3, v3  }
0x36: {  	v6 =	vand.u32 $0x80000000, v2;
	vm0 =	vlt.f32 v2, $0.0e+00;
	vm1 =	vgt.f32 v2, $0.0e+00  }
0x37: {  	vm0 =	vmor vm1, vm0;
	v6 =	vor.u32 v6, v0  }
0x38: {  	v3 =	vadd.f32 $-1.000000000e+01, v3;
	v2 =	vsel vm0, v6, v2  }
0x39: {  	v4 =	vmul.f32 v5, v4;
	v2 =	vmax.f32 v2, $0.0e+00  }
0x3a: {  	v2 =	vmul.f32 v2, v3  }
0x3b: {  	[tilespmem:s11+$0x6200] =	vst v4  }
0x3c: {  	s8 =	rddreg [dreg:$0xc];
	s9 =	simm.s32 $0x6200;
	[tilespmem:s12+$0x6200] =	vst v2  }
0x3d: {  	[spmem:s8] =	stream.linear.scatter [tilespmem:s9], [sflag:$0x3], $0x1880, $0x38;
	[tilespmem:$0xAA80] =	vst v63  }
0x3e: {  	_ =	swait.ge [sflag:s14], $0x1880  }
0x3f: {  	[sflag:s14] =	ssyncset.done $0x0  }
0x40: {  	s11 =	simm.s32 $0x0;
	s8 =	simm.s32 $0x40;
	[sflag:s14] =	ssyncadd.s32 $0xFFFFE780  }
.LBB2_4:
0x41: {  	p0 =	sne.s32 s8, $0x61C0;
	[tilespmem:s11+$0x6200] =	vst v1;
	s9 =	smov.u32 s8;
	s8 =	sadd.s32 $0x40, s8  }
.Ltmp1:
0x42: {  	(pc) =	sbr.rel @p0 .LBB2_4-.Ltmp1, $2  }
0x43: {  	_ =	sdelay $0x2  }
0x44: {  	s11 =	sshra.s32 s9, $0x2  }
0x45: {  	[tilespmem:s11+$0x6200] =	vst v1;
	s8 =	rddreg [dreg:$0xe];
	s9 =	simm.s32 $0x6200  }
0x46: {  	[spmem:s8] =	stream.linear.scatter [tilespmem:s9], [sflag:$0x3], $0x1880, $0x38;
	[tilespmem:$0xAA80] =	vst v63  }
0x47: {  	_ =	swait.ge [sflag:s14], $0x1880  }
0x48: {  	[sflag:s14] =	ssyncset.done $0x0  }
0x49: {  	[sflag:s14] =	ssyncadd.s32 $0xFFFFE780  }
0x4a: {  	[bflag:$0x0] =	sbarrier.arrive $0xFFFF  }
0x4b: {  	s12 =	rddreg [dreg:$0x11]  }
0x4c: {  	[tilespmem:s17], [sflag:$0x3] =	stream.linear.gather [hbm4b:s12+s4], $0x1000, $0x38;
	[tilespmem:$0xAA80] =	vst v63  }
0x4d: {  	_ =	swait.ge [sflag:s14], $0x1000  }
0x4e: {  	[sflag:s14] =	ssyncset.done $0x0  }
0x4f: {  	s9 =	sadd.s32 $0x34000, s12;
	[sflag:s14] =	ssyncadd.s32 $0xFFFFF000  }
0x50: {  	[tilespmem:s18], [sflag:$0x3] =	stream.linear.gather [hbm4b:s9+s4], $0x1000, $0x38;
	[tilespmem:$0xAA80] =	vst v63  }
0x51: {  	_ =	swait.ge [sflag:s14], $0x1000  }
0x52: {  	[sflag:s14] =	ssyncset.done $0x0  }
0x53: {  	[sflag:s14] =	ssyncadd.s32 $0xFFFFF000  }
0x54: {  	[tilespmem:s20], [sflag:$0x1] =	stream.indirect.gather [spmem:s2], $0x1, s17, s19, $0xb8;
	[tilespmem:$0xAA80] =	vst v63  }
0x55: {  	s11 =	rddreg [dreg:$0x5]  }
0x56: {  	[tilespmem:s21], [sflag:$0x1] =	stream.indirect.gather [spmem:s2], $0x1, s11, s19, $0xb8;
	[tilespmem:$0xAA80] =	vst v63  }
0x57: {  	s9 =	rddreg [dreg:$0x6]  }
0x58: {  	[tilespmem:s22], [sflag:$0x1] =	stream.indirect.gather [spmem:s2], $0x1, s9, s19, $0xb8;
	[tilespmem:$0xAA80] =	vst v63  }
0x59: {  	s11 =	rddreg [dreg:$0x7]  }
0x5a: {  	[tilespmem:s23], [sflag:$0x1] =	stream.indirect.gather [spmem:s2], $0x1, s11, s19, $0xb8;
	[tilespmem:$0xAA80] =	vst v63  }
0x5b: {  	s9 =	rddreg [dreg:$0x8]  }
0x5c: {  	[tilespmem:s24], [sflag:$0x1] =	stream.indirect.gather [spmem:s2], $0x1, s9, s19, $0xb8;
	[tilespmem:$0xAA80] =	vst v63  }
0x5d: {  	s11 =	rddreg [dreg:$0x9]  }
0x5e: {  	[tilespmem:s25], [sflag:$0x1] =	stream.indirect.gather [spmem:s2], $0x1, s11, s19, $0xb8;
	[tilespmem:$0xAA80] =	vst v63  }
0x5f: {  	_ = 	snop  }
0x60: {  	[tilespmem:s28], [sflag:$0x1] =	stream.indirect.gather [spmem:s2], $0x1, s26, s19, $0xb8;
	[tilespmem:$0xAA80] =	vst v63  }
0x61: {  	_ = 	snop  }
0x62: {  	[tilespmem:s30], [sflag:$0x1] =	stream.indirect.gather [spmem:s2], $0x1, s29, s19, $0xb8;
	[tilespmem:$0xAA80] =	vst v63  }
0x63: {  	_ =	swait.ge [sflag:s31], $0x200  }
0x64: {  	[sflag:s31] =	ssyncset.done $0x0  }
0x65: {  	[sflag:s31] =	ssyncadd.s32 $0xFFFFFE00  }
0x66: {  	[spmem:s3] =	stream.indirect.scatter.add.f32 [tilespmem:s20], [sflag:$0x2], $0x1, s18, s19, $0xb8;
	[tilespmem:$0xAA80] =	vst v63  }
0x67: {  	_ =	swait.ge [sflag:s31], $0x200  }
0x68: {  	[sflag:s31] =	ssyncset.done $0x0  }
0x69: {  	[sflag:s31] =	ssyncadd.s32 $0xFFFFFE00  }
0x6a: {  	[spmem:s3] =	stream.indirect.scatter.add.f32 [tilespmem:s21], [sflag:$0x2], $0x1, s0, s19, $0xb8;
	[tilespmem:$0xAA80] =	vst v63  }
0x6b: {  	_ =	swait.ge [sflag:s31], $0x200  }
0x6c: {  	[sflag:s31] =	ssyncset.done $0x0  }
0x6d: {  	[sflag:s31] =	ssyncadd.s32 $0xFFFFFE00  }
0x6e: {  	[spmem:s3] =	stream.indirect.scatter.add.f32 [tilespmem:s22], [sflag:$0x2], $0x1, s13, s19, $0xb8;
	[tilespmem:$0xAA80] =	vst v63  }
0x6f: {  	_ =	swait.ge [sflag:s31], $0x200  }
0x70: {  	[sflag:s31] =	ssyncset.done $0x0  }
0x71: {  	[sflag:s31] =	ssyncadd.s32 $0xFFFFFE00  }
0x72: {  	[spmem:s3] =	stream.indirect.scatter.add.f32 [tilespmem:s23], [sflag:$0x2], $0x1, s15, s19, $0xb8;
	[tilespmem:$0xAA80] =	vst v63  }
0x73: {  	_ =	swait.ge [sflag:s31], $0x200  }
0x74: {  	[sflag:s31] =	ssyncset.done $0x0  }
0x75: {  	[sflag:s31] =	ssyncadd.s32 $0xFFFFFE00  }
0x76: {  	[spmem:s3] =	stream.indirect.scatter.add.f32 [tilespmem:s24], [sflag:$0x2], $0x1, s1, s19, $0xb8;
	[tilespmem:$0xAA80] =	vst v63  }
0x77: {  	_ =	swait.ge [sflag:s31], $0x200  }
0x78: {  	[sflag:s31] =	ssyncset.done $0x0  }
0x79: {  	[sflag:s31] =	ssyncadd.s32 $0xFFFFFE00  }
0x7a: {  	[spmem:s3] =	stream.indirect.scatter.add.f32 [tilespmem:s25], [sflag:$0x2], $0x1, s5, s19, $0xb8;
	[tilespmem:$0xAA80] =	vst v63  }
0x7b: {  	_ =	swait.ge [sflag:s31], $0x200  }
0x7c: {  	[sflag:s31] =	ssyncset.done $0x0  }
0x7d: {  	[sflag:s31] =	ssyncadd.s32 $0xFFFFFE00  }
0x7e: {  	[spmem:s3] =	stream.indirect.scatter.add.f32 [tilespmem:s28], [sflag:$0x2], $0x1, s6, s19, $0xb8;
	[tilespmem:$0xAA80] =	vst v63  }
0x7f: {  	_ =	swait.ge [sflag:s31], $0x200  }
0x80: {  	[sflag:s31] =	ssyncset.done $0x0  }
0x81: {  	[sflag:s31] =	ssyncadd.s32 $0xFFFFFE00  }
0x82: {  	[spmem:s3] =	stream.indirect.scatter.add.f32 [tilespmem:s30], [sflag:$0x2], $0x1, s7, s19, $0xb8;
	[tilespmem:$0xAA80] =	vst v63  }
0x83: {  	_ =	swait.ge [sflag:s16], $0x200  }
0x84: {  	[sflag:s16] =	ssyncset.done $0x0  }
0x85: {  	[sflag:s16] =	ssyncadd.s32 $0xFFFFFE00  }
0x86: {  	_ =	swait.ge [sflag:s16], $0x200  }
0x87: {  	[sflag:s16] =	ssyncset.done $0x0  }
0x88: {  	[sflag:s16] =	ssyncadd.s32 $0xFFFFFE00  }
0x89: {  	_ =	swait.ge [sflag:s16], $0x200  }
0x8a: {  	[sflag:s16] =	ssyncset.done $0x0  }
0x8b: {  	[sflag:s16] =	ssyncadd.s32 $0xFFFFFE00  }
0x8c: {  	_ =	swait.ge [sflag:s16], $0x200  }
0x8d: {  	[sflag:s16] =	ssyncset.done $0x0  }
0x8e: {  	[sflag:s16] =	ssyncadd.s32 $0xFFFFFE00  }
0x8f: {  	_ =	swait.ge [sflag:s16], $0x200  }
0x90: {  	[sflag:s16] =	ssyncset.done $0x0  }
0x91: {  	[sflag:s16] =	ssyncadd.s32 $0xFFFFFE00  }
0x92: {  	_ =	swait.ge [sflag:s16], $0x200  }
0x93: {  	[sflag:s16] =	ssyncset.done $0x0  }
0x94: {  	[sflag:s16] =	ssyncadd.s32 $0xFFFFFE00  }
0x95: {  	_ =	swait.ge [sflag:s16], $0x200  }
0x96: {  	s11 =	rddreg [dreg:$0xd]  }
0x97: {  	p0 =	sne.s32 s11, $0x1  }
.Ltmp2:
0x98: {  	_ = 	snop;
	(pc) =	sbr.rel @!p0 .LBB2_7-.Ltmp2, $4  }
0x99: {  	[sflag:s16] =	ssyncset.done $0x0  }
0x9a: {  	[sflag:s16] =	ssyncadd.s32 $0xFFFFFE00  }
0x9b: {  	_ =	swait.ge [sflag:s16], $0x200  }
0x9c: {  	s11 =	sadd.s32 $0xFFFFFFFF, s11;
	[sflag:s16] =	ssyncset.done $0x0  }
.LBB2_6:
0x9d: {  	[sflag:s16] =	ssyncadd.s32 $0xFFFFFE00;
	s12 =	sadd.s32 $0x200, s12  }
0x9e: {  	[tilespmem:s17], [sflag:$0x3] =	stream.linear.gather [hbm4b:s12+s4], $0x1000, $0x38;
	[tilespmem:$0xAA80] =	vst v63  }
0x9f: {  	_ =	swait.ge [sflag:s14], $0x1000  }
0xa0: {  	[sflag:s14] =	ssyncset.done $0x0  }
0xa1: {  	s8 =	sadd.s32 $0x34000, s12;
	[sflag:s14] =	ssyncadd.s32 $0xFFFFF000  }
0xa2: {  	[tilespmem:s18], [sflag:$0x3] =	stream.linear.gather [hbm4b:s8+s4], $0x1000, $0x38;
	[tilespmem:$0xAA80] =	vst v63  }
0xa3: {  	_ =	swait.ge [sflag:s14], $0x1000  }
0xa4: {  	[sflag:s14] =	ssyncset.done $0x0  }
0xa5: {  	[sflag:s14] =	ssyncadd.s32 $0xFFFFF000  }
0xa6: {  	[tilespmem:s20], [sflag:$0x1] =	stream.indirect.gather [spmem:s2], $0x1, s17, s19, $0xb8;
	[tilespmem:$0xAA80] =	vst v63  }
0xa7: {  	s8 =	rddreg [dreg:$0x5]  }
0xa8: {  	[tilespmem:s21], [sflag:$0x1] =	stream.indirect.gather [spmem:s2], $0x1, s8, s19, $0xb8;
	[tilespmem:$0xAA80] =	vst v63  }
0xa9: {  	s9 =	rddreg [dreg:$0x6]  }
0xaa: {  	[tilespmem:s22], [sflag:$0x1] =	stream.indirect.gather [spmem:s2], $0x1, s9, s19, $0xb8;
	[tilespmem:$0xAA80] =	vst v63  }
0xab: {  	s8 =	rddreg [dreg:$0x7]  }
0xac: {  	[tilespmem:s23], [sflag:$0x1] =	stream.indirect.gather [spmem:s2], $0x1, s8, s19, $0xb8;
	[tilespmem:$0xAA80] =	vst v63  }
0xad: {  	s9 =	rddreg [dreg:$0x8]  }
0xae: {  	[tilespmem:s24], [sflag:$0x1] =	stream.indirect.gather [spmem:s2], $0x1, s9, s19, $0xb8;
	[tilespmem:$0xAA80] =	vst v63  }
0xaf: {  	s8 =	rddreg [dreg:$0x9]  }
0xb0: {  	[tilespmem:s25], [sflag:$0x1] =	stream.indirect.gather [spmem:s2], $0x1, s8, s19, $0xb8;
	[tilespmem:$0xAA80] =	vst v63  }
0xb1: {  	_ = 	snop  }
0xb2: {  	[tilespmem:s28], [sflag:$0x1] =	stream.indirect.gather [spmem:s2], $0x1, s26, s19, $0xb8;
	[tilespmem:$0xAA80] =	vst v63  }
0xb3: {  	_ = 	snop  }
0xb4: {  	[tilespmem:s30], [sflag:$0x1] =	stream.indirect.gather [spmem:s2], $0x1, s29, s19, $0xb8;
	[tilespmem:$0xAA80] =	vst v63  }
0xb5: {  	_ =	swait.ge [sflag:s31], $0x200  }
0xb6: {  	[sflag:s31] =	ssyncset.done $0x0  }
0xb7: {  	[sflag:s31] =	ssyncadd.s32 $0xFFFFFE00  }
0xb8: {  	[spmem:s3] =	stream.indirect.scatter.add.f32 [tilespmem:s20], [sflag:$0x2], $0x1, s18, s19, $0xb8;
	[tilespmem:$0xAA80] =	vst v63  }
0xb9: {  	_ =	swait.ge [sflag:s31], $0x200  }
0xba: {  	[sflag:s31] =	ssyncset.done $0x0  }
0xbb: {  	[sflag:s31] =	ssyncadd.s32 $0xFFFFFE00  }
0xbc: {  	[spmem:s3] =	stream.indirect.scatter.add.f32 [tilespmem:s21], [sflag:$0x2], $0x1, s0, s19, $0xb8;
	[tilespmem:$0xAA80] =	vst v63  }
0xbd: {  	_ =	swait.ge [sflag:s31], $0x200  }
0xbe: {  	[sflag:s31] =	ssyncset.done $0x0  }
0xbf: {  	[sflag:s31] =	ssyncadd.s32 $0xFFFFFE00  }
0xc0: {  	[spmem:s3] =	stream.indirect.scatter.add.f32 [tilespmem:s22], [sflag:$0x2], $0x1, s13, s19, $0xb8;
	[tilespmem:$0xAA80] =	vst v63  }
0xc1: {  	_ =	swait.ge [sflag:s31], $0x200  }
0xc2: {  	[sflag:s31] =	ssyncset.done $0x0  }
0xc3: {  	[sflag:s31] =	ssyncadd.s32 $0xFFFFFE00  }
0xc4: {  	[spmem:s3] =	stream.indirect.scatter.add.f32 [tilespmem:s23], [sflag:$0x2], $0x1, s15, s19, $0xb8;
	[tilespmem:$0xAA80] =	vst v63  }
0xc5: {  	_ =	swait.ge [sflag:s31], $0x200  }
0xc6: {  	[sflag:s31] =	ssyncset.done $0x0  }
0xc7: {  	[sflag:s31] =	ssyncadd.s32 $0xFFFFFE00  }
0xc8: {  	[spmem:s3] =	stream.indirect.scatter.add.f32 [tilespmem:s24], [sflag:$0x2], $0x1, s1, s19, $0xb8;
	[tilespmem:$0xAA80] =	vst v63  }
0xc9: {  	_ =	swait.ge [sflag:s31], $0x200  }
0xca: {  	[sflag:s31] =	ssyncset.done $0x0  }
0xcb: {  	[sflag:s31] =	ssyncadd.s32 $0xFFFFFE00  }
0xcc: {  	[spmem:s3] =	stream.indirect.scatter.add.f32 [tilespmem:s25], [sflag:$0x2], $0x1, s5, s19, $0xb8;
	[tilespmem:$0xAA80] =	vst v63  }
0xcd: {  	_ =	swait.ge [sflag:s31], $0x200  }
0xce: {  	[sflag:s31] =	ssyncset.done $0x0  }
0xcf: {  	[sflag:s31] =	ssyncadd.s32 $0xFFFFFE00  }
0xd0: {  	[spmem:s3] =	stream.indirect.scatter.add.f32 [tilespmem:s28], [sflag:$0x2], $0x1, s6, s19, $0xb8;
	[tilespmem:$0xAA80] =	vst v63  }
0xd1: {  	_ =	swait.ge [sflag:s31], $0x200  }
0xd2: {  	[sflag:s31] =	ssyncset.done $0x0  }
0xd3: {  	[sflag:s31] =	ssyncadd.s32 $0xFFFFFE00  }
0xd4: {  	[spmem:s3] =	stream.indirect.scatter.add.f32 [tilespmem:s30], [sflag:$0x2], $0x1, s7, s19, $0xb8;
	[tilespmem:$0xAA80] =	vst v63  }
0xd5: {  	_ =	swait.ge [sflag:s16], $0x200  }
0xd6: {  	[sflag:s16] =	ssyncset.done $0x0  }
0xd7: {  	[sflag:s16] =	ssyncadd.s32 $0xFFFFFE00  }
0xd8: {  	_ =	swait.ge [sflag:s16], $0x200  }
0xd9: {  	[sflag:s16] =	ssyncset.done $0x0  }
0xda: {  	[sflag:s16] =	ssyncadd.s32 $0xFFFFFE00  }
0xdb: {  	_ =	swait.ge [sflag:s16], $0x200  }
0xdc: {  	[sflag:s16] =	ssyncset.done $0x0  }
0xdd: {  	[sflag:s16] =	ssyncadd.s32 $0xFFFFFE00  }
0xde: {  	_ =	swait.ge [sflag:s16], $0x200  }
0xdf: {  	[sflag:s16] =	ssyncset.done $0x0  }
0xe0: {  	[sflag:s16] =	ssyncadd.s32 $0xFFFFFE00  }
0xe1: {  	_ =	swait.ge [sflag:s16], $0x200  }
0xe2: {  	[sflag:s16] =	ssyncset.done $0x0  }
0xe3: {  	[sflag:s16] =	ssyncadd.s32 $0xFFFFFE00  }
0xe4: {  	_ =	swait.ge [sflag:s16], $0x200  }
0xe5: {  	[sflag:s16] =	ssyncset.done $0x0  }
0xe6: {  	p0 =	sne.s32 s11, $0x1;
	[sflag:s16] =	ssyncadd.s32 $0xFFFFFE00  }
.Ltmp3:
0xe7: {  	_ =	swait.ge [sflag:s16], $0x200;
	(pc) =	sbr.rel @p0 .LBB2_6-.Ltmp3, $4  }
0xe8: {  	[sflag:s16] =	ssyncset.done $0x0  }
0xe9: {  	[sflag:s16] =	ssyncadd.s32 $0xFFFFFE00  }
0xea: {  	_ =	swait.ge [sflag:s16], $0x200  }
0xeb: {  	s11 =	sadd.s32 $0xFFFFFFFF, s11;
	[sflag:s16] =	ssyncset.done $0x0  }
.LBB2_7:
0xec: {  	[sflag:s16] =	ssyncadd.s32 $0xFFFFFE00  }
0xed: {  	s8 =	stileid.u32;
	[bflag:$0x0] =	sbarrier.arrive $0xFFFF  }
0xee: {  	s8 =	sshll.u32 s8, $0x6;
	s9 =	rddreg [dreg:$0xe]  }
0xef: {  	s8 =	sor.u32 $0x1C03, s8;
	s11 =	rddreg [dreg:$0xf];
	s9 =	sshrl.u32 s9, $0x3  }
0xf0: {  	[hbm:s11], [sflag:s8] =	dma.local [spmem:s9], $0x310  }
0xf1: {  	_ =	swait.ge [sflag:s14], $0x310  }
0xf2: {  	s10 =	sadd.s32 $0x1, s10;
	s12 =	rddreg [dreg:$0x10]  }
0xf3: {  	p0 =	sne.s32 s10, s12  }
.Ltmp4:
0xf4: {  	_ = 	snop;
	(pc) =	sbr.rel @p0 .LBB2_1-.Ltmp4, $3  }
0xf5: {  	_ =	sdelay $0x1  }
0xf6: {  	[sflag:s14] =	ssyncset.done $0x0  }
0xf7: {  	[sflag:s14] =	ssyncadd.s32 $0xFFFFFCF0  }
0xf8: {  	_ =	sfence.sel $0x180000  }
0xf9: {  	[bflag:$0x0] =	sbarrier.arrive $0xFFFF  }
0xfa: {  	_ =	strace $0x90000047  }
0xfb: {  	s0 =	stileid.u32;
	[bflag:$0x2] =	sbarrier.arrive $0xFFFF  }
0xfc: {  	p0 =	sne.s32 s0, $0x0;
	s0 =	rddreg [dreg:$0x4]  }
0xfd: {  	s0 =	sadd.s32 @!p0 $0x100000, s0  }
0xfe: {  	[sflag:s0] =	ssyncadd.tile.s32 @!p0 $0x1;
	_ =	shalt  }
.Lfunc_end2:
_tile_overlayer_lowered:
.L_overlay_start_2:
0xff: {  	(tag) =	ssettag $0x2  }
0x100: {  	s0 =	rddreg [dreg:$0x0];
	s2 =	stileid.u32  }
0x101: {  	s1 =	rddreg [dreg:$0x1];
	p0 =	sne.s32 s2, $0x0  }
0x102: {  	s3 =	rddreg [dreg:$0x2];
	[bflag:$0x3] =	sbarrier.arrive $0xFFFF;
	s2 =	simm.s32 @!p0 $0x1C03  }
0x103: {  	[timem:s3], [sflag:s2] =	dma.local @!p0 [hbm:s0], s1  }
0x104: {  	s0 =	simm.s32 @!p0 $0x3  }
0x105: {  	_ =	swait.ge @!p0 [sflag:s0], s1  }
0x106: {  	s1 =	ssub.s32 @!p0 $0x0, s1;
	[sflag:s0] =	ssyncset.done @!p0 $0x0  }
0x107: {  	[sflag:s0] =	ssyncadd.s32 @!p0 s1  }
0x108: {  	[bflag:$0x3] =	sbarrier.arrive $0xFFFF  }
0x109: {  	_ =	shalt  }

</sc_bundles>
